<compile_context>
chip_gen: v7x
topology: tpu7x:2x2x1
jax: 0.10.2.dev20260603
libtpu: 0.0.44.dev20260713+nightly
codegen_flags: <defaults>
</compile_context>

<pallas_src>
import functools
import math

import jax
import jax.numpy as jnp
from jax import lax
from jax.experimental import pallas as pl
from jax.experimental.pallas import tpu as pltpu
from jax.experimental.pallas import tpu_sc as plsc

_CAPACITY_FACTOR = 2.0
_MIN_CAPACITY = 4


def _capacity(s: int, e: int) -> int:
    c = math.floor(_CAPACITY_FACTOR * s / e)
    c += c % 2
    return max(c, _MIN_CAPACITY)


def _sc_top2_body(x_hbm, w_hbm, r_hbm, xv, wpl, rpl, sem, *, tok_w, nc):
    E = 16
    wid = lax.axis_index("s") * nc + lax.axis_index("c")
    base = wid * tok_w
    pltpu.sync_copy(x_hbm.at[pl.ds(base, tok_w)], xv)

    iota = lax.broadcasted_iota(jnp.int32, (E,), 0)
    zf = jnp.zeros((E,), jnp.float32)
    zi = jnp.zeros((E,), jnp.int32)
    neg = jnp.full((E,), -3.0e38, jnp.float32)
    onef = jnp.ones((E,), jnp.float32)
    onei = jnp.ones((E,), jnp.int32)
    ev = jnp.full((E,), E, jnp.int32)
    c256 = jnp.full((E,), 256, jnp.int32)
    neg1 = jnp.full((E,), -1, jnp.int32)

    def _shuf(v, k):
        return v.at[iota ^ k].get(mode="promise_in_bounds")

    def _bmax(v):
        for k in (1, 2, 4, 8):
            v = jnp.maximum(v, _shuf(v, k))
        return v

    def _bmin(v):
        for k in (1, 2, 4, 8):
            v = jnp.minimum(v, _shuf(v, k))
        return v

    def _bsum(v):
        for k in (1, 2, 4, 8):
            v = v + _shuf(v, k)
        return v

    def pass_a(t, carry):
        c1, c2 = carry
        row = xv[t]
        m1 = _bmax(row)
        e1 = _bmin(jnp.where(row == m1, iota, ev))
        oh1 = iota == e1
        row2 = jnp.where(oh1, neg, row)
        m2 = _bmax(row2)
        e2 = _bmin(jnp.where(row2 == m2, iota, ev))
        oh2 = iota == e2
        u = jnp.exp(row - m1)
        sv = _bsum(u)
        w1 = onef / sv
        w2 = u.at[e2].get(mode="promise_in_bounds") / sv
        lr1 = c1.at[e1].get(mode="promise_in_bounds")
        lr2 = c2.at[e2].get(mode="promise_in_bounds")
        wpl[t] = jnp.where(oh1, w1, jnp.where(oh2, w2, zf))
        rpl[t] = jnp.where(oh1, lr1, jnp.where(oh2, lr2 + c256, neg1))
        return (c1 + jnp.where(oh1, onei, zi), c2 + jnp.where(oh2, onei, zi))

    lax.fori_loop(0, tok_w, pass_a, (zi, zi))
    pltpu.sync_copy(wpl, w_hbm.at[pl.ds(base, tok_w)])
    pltpu.sync_copy(rpl, r_hbm.at[pl.ds(base, tok_w)])


def _tc_build_kernel(w_ref, r_ref, cb_ref, mask_ref, w_s, r_s, *, cap, nw):
    pid = pl.program_id(0)
    S, E = w_ref.shape
    T, _, C = cb_ref.shape
    seg = S // nw

    @pl.when(pid == 0)
    def _globalize():
        wl = w_ref[...]
        rp = r_ref[...]
        ise1 = (rp >= 0) & (rp < 256)
        ise2 = rp >= 256
        rl = jnp.where(ise2, rp - 256, rp)
        r3 = rl.reshape(nw, seg, E)
        m1 = jnp.where(ise1.reshape(nw, seg, E), r3 + 1, 0)
        m2 = jnp.where(ise2.reshape(nw, seg, E), r3 + 1, 0)
        cnt1 = jnp.max(m1, axis=1)
        cnt2 = jnp.max(m2, axis=1)
        def _excl_cumsum(v):
            k = 1
            out = v
            while k < nw:
                out = out + jnp.concatenate(
                    [jnp.zeros((k, E), v.dtype), out[: nw - k, :]], axis=0)
                k *= 2
            return out - v

        pref1 = _excl_cumsum(cnt1)
        pref2 = _excl_cumsum(cnt2)
        tot1 = jnp.sum(cnt1, axis=0, keepdims=True)
        off1 = jnp.broadcast_to(pref1[:, None, :], (nw, seg, E)).reshape(S, E)
        off2 = jnp.broadcast_to(
            (pref2 + tot1)[:, None, :], (nw, seg, E)).reshape(S, E)
        rank = jnp.where(ise1, rl + off1, jnp.where(ise2, rl + off2, -1))
        keep = (rank >= 0) & (rank < cap)
        w = jnp.where(keep, wl, 0.0)
        r = jnp.where(keep & (w != 0.0), rank, -1)
        w_s[...] = w
        r_s[...] = r

    t0 = pid * T
    w = w_s[pl.ds(t0, T), :]
    r = r_s[pl.ds(t0, T), :]
    c_iota = lax.broadcasted_iota(jnp.int32, (T, E, C), 2)
    eq = c_iota == r[:, :, None]
    cb_ref[...] = jnp.where(eq, w[:, :, None], 0.0)
    mask_ref[...] = eq


def kernel(inputs):
    S, E = inputs.shape
    C = _capacity(S, E)
    x = inputs.astype(jnp.float32)

    info = plsc.get_sparse_core_info()
    nw = info.num_cores * info.num_subcores
    tok_w = S // nw
    mesh = plsc.VectorSubcoreMesh(core_axis_name="c", subcore_axis_name="s")
    wl, rp = pl.kernel(
        functools.partial(_sc_top2_body, tok_w=tok_w, nc=info.num_cores),
        mesh=mesh,
        out_type=[
            jax.ShapeDtypeStruct((S, E), jnp.float32),
            jax.ShapeDtypeStruct((S, E), jnp.int32),
        ],
        scratch_types=[
            pltpu.VMEM((tok_w, E), jnp.float32),
            pltpu.VMEM((tok_w, E), jnp.float32),
            pltpu.VMEM((tok_w, E), jnp.int32),
            pltpu.SemaphoreType.DMA,
        ],
    )(x)

    T = 256
    cb, mask = pl.pallas_call(
        functools.partial(_tc_build_kernel, cap=C, nw=nw),
        grid=(S // T,),
        in_specs=[
            pl.BlockSpec((S, E), lambda i: (0, 0)),
            pl.BlockSpec((S, E), lambda i: (0, 0)),
        ],
        out_specs=[
            pl.BlockSpec((T, E, C), lambda i: (i, 0, 0)),
            pl.BlockSpec((T, E, C), lambda i: (i, 0, 0)),
        ],
        out_shape=[
            jax.ShapeDtypeStruct((S, E, C), jnp.float32),
            jax.ShapeDtypeStruct((S, E, C), jnp.bool_),
        ],
        scratch_shapes=[
            pltpu.VMEM((S, E), jnp.float32),
            pltpu.VMEM((S, E), jnp.int32),
        ],
    )(wl, rp)
    return (cb, mask)

# --- scband reference (transcript-rebuilt; emitter-appended) ---
"""Pipeline reference for scband-top2-router-77335181132292 (READ-ONLY COPY).

The authoritative reference and input builder live on the scoring server;
editing this copy changes nothing except your own understanding.
"""

import math
import jax, jax.numpy as jnp
import numpy as np

CAPACITY_FACTOR = 2.0
MIN_CAPACITY = 4

def _get_capacity(s, e):
    capacity = math.floor(CAPACITY_FACTOR * s / e)
    capacity += capacity % 2
    capacity = max(capacity, MIN_CAPACITY)
    return capacity

def setup_inputs(seed: int = 0) -> dict:
    key = jax.random.key(seed)
    inputs = jax.random.normal(key, (2048, 16), dtype=jnp.float32)
    return {"inputs": inputs}

def reference(inputs):
    # autocast_softmax: softmax in float32
    logits = jax.nn.softmax(inputs.astype(jnp.float32), axis=-1)
    s, num_experts = logits.shape
    capacity = _get_capacity(s, num_experts)

    top1_idx = jnp.argmax(logits, axis=-1)
    mask1 = jax.nn.one_hot(top1_idx, num_experts, dtype=jnp.int32)
    logits_except1 = jnp.where(mask1.astype(bool), -jnp.inf, logits)
    top2_idx = jnp.argmax(logits_except1, axis=-1)
    mask2 = jax.nn.one_hot(top2_idx, num_experts, dtype=jnp.int32)

    # moe_cumsum: exclusive rank = cumsum - 1 along token dim
    rank1 = jnp.cumsum(mask1, axis=0) - 1
    rank2 = jnp.cumsum(mask2, axis=0) - 1
    rank2 = rank2 + jnp.sum(mask1, axis=0, keepdims=True)

    mask1 = mask1 * (rank1 < capacity).astype(jnp.int32)
    mask2 = mask2 * (rank2 < capacity).astype(jnp.int32)

    rank1 = jnp.sum(mask1 * rank1, axis=-1)
    rank2 = jnp.sum(mask2 * rank2, axis=-1)

    weight1 = mask1.astype(logits.dtype) * logits
    weight2 = mask2.astype(logits.dtype) * logits
    rank1_sc = jax.nn.one_hot(rank1, capacity, dtype=logits.dtype)
    rank2_sc = jax.nn.one_hot(rank2, capacity, dtype=logits.dtype)

    cb_weight1 = weight1[:, :, None] * rank1_sc[:, None, :]
    cb_weight2 = weight2[:, :, None] * rank2_sc[:, None, :]
    cb_weight = cb_weight1 + cb_weight2
    sec_mask = cb_weight.astype(bool)
    return (cb_weight, sec_mask)

if __name__ == "__main__":
    import jax
    _d = setup_inputs()
    print(jax.jit(kernel)(*tuple(_d.values())))

</pallas_src>

<mosaic_0001>
#map = affine_map<(d0, d1) -> (0, 0)>
module attributes {stable_mosaic.version = 14 : i64} {
  func.func @_sc_top2_body(%arg0: i32, %arg1: i32, %arg2: memref<2048x16xf32, #tpu.memory_space<hbm>>, %arg3: memref<2048x16xf32, #tpu.memory_space<hbm>>, %arg4: memref<2048x16xi32, #tpu.memory_space<hbm>>, %arg5: memref<64x16xf32, #tpu.memory_space<vmem>>, %arg6: memref<64x16xf32, #tpu.memory_space<vmem>>, %arg7: memref<64x16xi32, #tpu.memory_space<vmem>>, %arg8: memref<!tpu.dma_semaphore, #tpu.memory_space<semaphore_mem>>) attributes {dimension_semantics = [#tpu.dimension_semantics<core_parallel>, #tpu.dimension_semantics<subcore_parallel>], iteration_bounds = array<i64: 2, 16>, scalar_prefetch = 0 : i64, scratch_operands = 4 : i64, tpu.core_type = #tpu.core_type<sc_vector_subcore>, window_params = [{transform_indices = #map}, {transform_indices = #map}, {transform_indices = #map}]} {
    %mul3A = arith.constant 2 : i32
    %mul3A_0 = arith.muli %arg1, %mul3A : i32
    %add3A = arith.addi %mul3A_0, %arg0 : i32
    %mul3A_1 = arith.constant 64 : i32
    %mul3A_2 = arith.muli %add3A, %mul3A_1 : i32
    "tpu.region"() ({
      %run_scoped3A = tpu.sem_alloc : memref<!tpu.dma_semaphore, #tpu.memory_space<semaphore_mem>>
      %dma_start3A = arith.constant 0 : i32
      %dma_start3A_23 = tpu.memref_slice %arg2[%mul3A_2, %dma_start3A] : memref<2048x16xf32, #tpu.memory_space<hbm>> -> memref<64x16xf32, #tpu.memory_space<hbm>>
      %dma_start3A_24 = arith.constant 0 : i32
      %dma_start3A_25 = tpu.memref_slice %arg2[%mul3A_2, %dma_start3A_24] : memref<2048x16xf32, #tpu.memory_space<hbm>> -> memref<64x16xf32, #tpu.memory_space<hbm>>
      tpu.enqueue_dma source(%dma_start3A_25 : memref<64x16xf32, #tpu.memory_space<hbm>>) target(%arg5 : memref<64x16xf32, #tpu.memory_space<vmem>>) target_semaphore(%run_scoped3A : memref<!tpu.dma_semaphore, #tpu.memory_space<semaphore_mem>>)
      %dma_wait3A = arith.constant 0 : i32
      %dma_wait3A_26 = tpu.memref_slice %arg2[%mul3A_2, %dma_wait3A] : memref<2048x16xf32, #tpu.memory_space<hbm>> -> memref<64x16xf32, #tpu.memory_space<hbm>>
      %dma_wait3A_27 = arith.constant 0 : i32
      %dma_wait3A_28 = tpu.memref_slice %arg2[%mul3A_2, %dma_wait3A_27] : memref<2048x16xf32, #tpu.memory_space<hbm>> -> memref<64x16xf32, #tpu.memory_space<hbm>>
      tpu.wait_dma2 semaphore(%run_scoped3A : memref<!tpu.dma_semaphore, #tpu.memory_space<semaphore_mem>>) src(%dma_wait3A_28 : memref<64x16xf32, #tpu.memory_space<hbm>>) dst(%arg5 : memref<64x16xf32, #tpu.memory_space<vmem>>)
      tpu.yield
    }) : () -> ()
    %iota3A = tpu.iota {dimensions = array<i32: 0>} : vector<16xi32>
    %broadcast_in_dim3A = arith.constant 0.000000e+00 : f32
    %broadcast_in_dim3A_3 = vector.broadcast %broadcast_in_dim3A : f32 to vector<16xf32>
    %broadcast_in_dim3A_4 = arith.constant 0 : i32
    %broadcast_in_dim3A_5 = vector.broadcast %broadcast_in_dim3A_4 : i32 to vector<16xi32>
    %broadcast_in_dim3A_6 = arith.constant -3.000000e+38 : f32
    %broadcast_in_dim3A_7 = vector.broadcast %broadcast_in_dim3A_6 : f32 to vector<16xf32>
    %broadcast_in_dim3A_8 = arith.constant 1.000000e+00 : f32
    %broadcast_in_dim3A_9 = vector.broadcast %broadcast_in_dim3A_8 : f32 to vector<16xf32>
    %broadcast_in_dim3A_10 = arith.constant 1 : i32
    %broadcast_in_dim3A_11 = vector.broadcast %broadcast_in_dim3A_10 : i32 to vector<16xi32>
    %broadcast_in_dim3A_12 = arith.constant 16 : i32
    %broadcast_in_dim3A_13 = vector.broadcast %broadcast_in_dim3A_12 : i32 to vector<16xi32>
    %broadcast_in_dim3A_14 = arith.constant 256 : i32
    %broadcast_in_dim3A_15 = vector.broadcast %broadcast_in_dim3A_14 : i32 to vector<16xi32>
    %broadcast_in_dim3A_16 = arith.constant -1 : i32
    %broadcast_in_dim3A_17 = vector.broadcast %broadcast_in_dim3A_16 : i32 to vector<16xi32>
    %scan3A = arith.constant 0 : i32
    %scan3A_18 = arith.constant 64 : i32
    %scan3A_19 = arith.addi %scan3A, %scan3A_18 : i32
    %scan3A_20 = arith.constant 1 : i32
    %scan3A_21:2 = scf.for %scan3A_23 = %scan3A to %scan3A_19 step %scan3A_20 iter_args(%scan3A_24 = %broadcast_in_dim3A_5, %scan3A_25 = %broadcast_in_dim3A_5) -> (vector<16xi32>, vector<16xi32>)  : i32 {
      %get3A = arith.index_cast %scan3A_23 : i32 to index
      %get3A_26 = arith.constant 0 : index
      %get3A_27 = tpu.vector_load %arg5[%get3A, %get3A_26] {strides = array<i32>} : memref<64x16xf32, #tpu.memory_space<vmem>>, vector<1x16xf32>,
      %get3A_28 = vector.shape_cast %get3A_27 : vector<1x16xf32> to vector<16xf32>
      %xor3A = arith.constant 1 : i32
      %xor3A_29 = vector.broadcast %xor3A : i32 to vector<16xi32>
      %xor3A_30 = arith.xori %iota3A, %xor3A_29 : vector<16xi32>
      %lt3A = arith.constant 0 : i32
      %lt3A_31 = vector.broadcast %lt3A : i32 to vector<16xi32>
      %lt3A_32 = arith.cmpi slt, %xor3A_30, %lt3A_31 : vector<16xi32>
      %add3A_33 = arith.constant 16 : i32
      %add3A_34 = vector.broadcast %add3A_33 : i32 to vector<16xi32>
      %add3A_35 = arith.addi %xor3A_30, %add3A_34 : vector<16xi32>
      %select_n3A = arith.select %lt3A_32, %add3A_35, %xor3A_30 : vector<16xi1>, vector<16xi32>
      %broadcast_in_dim3A_36 = vector.shape_cast %select_n3A : vector<16xi32> to vector<16x1xi32>
      %gather3A = vector.shape_cast %broadcast_in_dim3A_36 : vector<16x1xi32> to vector<16xi32>
      %gather3A_37 = tpu.dynamic_gather %get3A_28[%gather3A] in [0] : vector<16xf32>, vector<16xi32> -> vector<16xf32>
      %max3A = arith.maximumf %get3A_28, %gather3A_37 : vector<16xf32>
      %xor3A_38 = arith.constant 2 : i32
      %xor3A_39 = vector.broadcast %xor3A_38 : i32 to vector<16xi32>
      %xor3A_40 = arith.xori %iota3A, %xor3A_39 : vector<16xi32>
      %lt3A_41 = arith.constant 0 : i32
      %lt3A_42 = vector.broadcast %lt3A_41 : i32 to vector<16xi32>
      %lt3A_43 = arith.cmpi slt, %xor3A_40, %lt3A_42 : vector<16xi32>
      %add3A_44 = arith.constant 16 : i32
      %add3A_45 = vector.broadcast %add3A_44 : i32 to vector<16xi32>
      %add3A_46 = arith.addi %xor3A_40, %add3A_45 : vector<16xi32>
      %select_n3A_47 = arith.select %lt3A_43, %add3A_46, %xor3A_40 : vector<16xi1>, vector<16xi32>
      %broadcast_in_dim3A_48 = vector.shape_cast %select_n3A_47 : vector<16xi32> to vector<16x1xi32>
      %gather3A_49 = vector.shape_cast %broadcast_in_dim3A_48 : vector<16x1xi32> to vector<16xi32>
      %gather3A_50 = tpu.dynamic_gather %max3A[%gather3A_49] in [0] : vector<16xf32>, vector<16xi32> -> vector<16xf32>
      %max3A_51 = arith.maximumf %max3A, %gather3A_50 : vector<16xf32>
      %xor3A_52 = arith.constant 4 : i32
      %xor3A_53 = vector.broadcast %xor3A_52 : i32 to vector<16xi32>
      %xor3A_54 = arith.xori %iota3A, %xor3A_53 : vector<16xi32>
      %lt3A_55 = arith.constant 0 : i32
      %lt3A_56 = vector.broadcast %lt3A_55 : i32 to vector<16xi32>
      %lt3A_57 = arith.cmpi slt, %xor3A_54, %lt3A_56 : vector<16xi32>
      %add3A_58 = arith.constant 16 : i32
      %add3A_59 = vector.broadcast %add3A_58 : i32 to vector<16xi32>
      %add3A_60 = arith.addi %xor3A_54, %add3A_59 : vector<16xi32>
      %select_n3A_61 = arith.select %lt3A_57, %add3A_60, %xor3A_54 : vector<16xi1>, vector<16xi32>
      %broadcast_in_dim3A_62 = vector.shape_cast %select_n3A_61 : vector<16xi32> to vector<16x1xi32>
      %gather3A_63 = vector.shape_cast %broadcast_in_dim3A_62 : vector<16x1xi32> to vector<16xi32>
      %gather3A_64 = tpu.dynamic_gather %max3A_51[%gather3A_63] in [0] : vector<16xf32>, vector<16xi32> -> vector<16xf32>
      %max3A_65 = arith.maximumf %max3A_51, %gather3A_64 : vector<16xf32>
      %xor3A_66 = arith.constant 8 : i32
      %xor3A_67 = vector.broadcast %xor3A_66 : i32 to vector<16xi32>
      %xor3A_68 = arith.xori %iota3A, %xor3A_67 : vector<16xi32>
      %lt3A_69 = arith.constant 0 : i32
      %lt3A_70 = vector.broadcast %lt3A_69 : i32 to vector<16xi32>
      %lt3A_71 = arith.cmpi slt, %xor3A_68, %lt3A_70 : vector<16xi32>
      %add3A_72 = arith.constant 16 : i32
      %add3A_73 = vector.broadcast %add3A_72 : i32 to vector<16xi32>
      %add3A_74 = arith.addi %xor3A_68, %add3A_73 : vector<16xi32>
      %select_n3A_75 = arith.select %lt3A_71, %add3A_74, %xor3A_68 : vector<16xi1>, vector<16xi32>
      %broadcast_in_dim3A_76 = vector.shape_cast %select_n3A_75 : vector<16xi32> to vector<16x1xi32>
      %gather3A_77 = vector.shape_cast %broadcast_in_dim3A_76 : vector<16x1xi32> to vector<16xi32>
      %gather3A_78 = tpu.dynamic_gather %max3A_65[%gather3A_77] in [0] : vector<16xf32>, vector<16xi32> -> vector<16xf32>
      %max3A_79 = arith.maximumf %max3A_65, %gather3A_78 : vector<16xf32>
      %eq3A = arith.cmpf oeq, %get3A_28, %max3A_79 : vector<16xf32>
      %select_n3A_80 = arith.select %eq3A, %iota3A, %broadcast_in_dim3A_13 : vector<16xi1>, vector<16xi32>
      %xor3A_81 = arith.constant 1 : i32
      %xor3A_82 = vector.broadcast %xor3A_81 : i32 to vector<16xi32>
      %xor3A_83 = arith.xori %iota3A, %xor3A_82 : vector<16xi32>
      %lt3A_84 = arith.constant 0 : i32
      %lt3A_85 = vector.broadcast %lt3A_84 : i32 to vector<16xi32>
      %lt3A_86 = arith.cmpi slt, %xor3A_83, %lt3A_85 : vector<16xi32>
      %add3A_87 = arith.constant 16 : i32
      %add3A_88 = vector.broadcast %add3A_87 : i32 to vector<16xi32>
      %add3A_89 = arith.addi %xor3A_83, %add3A_88 : vector<16xi32>
      %select_n3A_90 = arith.select %lt3A_86, %add3A_89, %xor3A_83 : vector<16xi1>, vector<16xi32>
      %broadcast_in_dim3A_91 = vector.shape_cast %select_n3A_90 : vector<16xi32> to vector<16x1xi32>
      %gather3A_92 = vector.shape_cast %broadcast_in_dim3A_91 : vector<16x1xi32> to vector<16xi32>
      %gather3A_93 = tpu.dynamic_gather %select_n3A_80[%gather3A_92] in [0] : vector<16xi32>, vector<16xi32> -> vector<16xi32>
      %min3A = arith.minsi %select_n3A_80, %gather3A_93 : vector<16xi32>
      %xor3A_94 = arith.constant 2 : i32
      %xor3A_95 = vector.broadcast %xor3A_94 : i32 to vector<16xi32>
      %xor3A_96 = arith.xori %iota3A, %xor3A_95 : vector<16xi32>
      %lt3A_97 = arith.constant 0 : i32
      %lt3A_98 = vector.broadcast %lt3A_97 : i32 to vector<16xi32>
      %lt3A_99 = arith.cmpi slt, %xor3A_96, %lt3A_98 : vector<16xi32>
      %add3A_100 = arith.constant 16 : i32
      %add3A_101 = vector.broadcast %add3A_100 : i32 to vector<16xi32>
      %add3A_102 = arith.addi %xor3A_96, %add3A_101 : vector<16xi32>
      %select_n3A_103 = arith.select %lt3A_99, %add3A_102, %xor3A_96 : vector<16xi1>, vector<16xi32>
      %broadcast_in_dim3A_104 = vector.shape_cast %select_n3A_103 : vector<16xi32> to vector<16x1xi32>
      %gather3A_105 = vector.shape_cast %broadcast_in_dim3A_104 : vector<16x1xi32> to vector<16xi32>
      %gather3A_106 = tpu.dynamic_gather %min3A[%gather3A_105] in [0] : vector<16xi32>, vector<16xi32> -> vector<16xi32>
      %min3A_107 = arith.minsi %min3A, %gather3A_106 : vector<16xi32>
      %xor3A_108 = arith.constant 4 : i32
      %xor3A_109 = vector.broadcast %xor3A_108 : i32 to vector<16xi32>
      %xor3A_110 = arith.xori %iota3A, %xor3A_109 : vector<16xi32>
      %lt3A_111 = arith.constant 0 : i32
      %lt3A_112 = vector.broadcast %lt3A_111 : i32 to vector<16xi32>
      %lt3A_113 = arith.cmpi slt, %xor3A_110, %lt3A_112 : vector<16xi32>
      %add3A_114 = arith.constant 16 : i32
      %add3A_115 = vector.broadcast %add3A_114 : i32 to vector<16xi32>
      %add3A_116 = arith.addi %xor3A_110, %add3A_115 : vector<16xi32>
      %select_n3A_117 = arith.select %lt3A_113, %add3A_116, %xor3A_110 : vector<16xi1>, vector<16xi32>
      %broadcast_in_dim3A_118 = vector.shape_cast %select_n3A_117 : vector<16xi32> to vector<16x1xi32>
      %gather3A_119 = vector.shape_cast %broadcast_in_dim3A_118 : vector<16x1xi32> to vector<16xi32>
      %gather3A_120 = tpu.dynamic_gather %min3A_107[%gather3A_119] in [0] : vector<16xi32>, vector<16xi32> -> vector<16xi32>
      %min3A_121 = arith.minsi %min3A_107, %gather3A_120 : vector<16xi32>
      %xor3A_122 = arith.constant 8 : i32
      %xor3A_123 = vector.broadcast %xor3A_122 : i32 to vector<16xi32>
      %xor3A_124 = arith.xori %iota3A, %xor3A_123 : vector<16xi32>
      %lt3A_125 = arith.constant 0 : i32
      %lt3A_126 = vector.broadcast %lt3A_125 : i32 to vector<16xi32>
      %lt3A_127 = arith.cmpi slt, %xor3A_124, %lt3A_126 : vector<16xi32>
      %add3A_128 = arith.constant 16 : i32
      %add3A_129 = vector.broadcast %add3A_128 : i32 to vector<16xi32>
      %add3A_130 = arith.addi %xor3A_124, %add3A_129 : vector<16xi32>
      %select_n3A_131 = arith.select %lt3A_127, %add3A_130, %xor3A_124 : vector<16xi1>, vector<16xi32>
      %broadcast_in_dim3A_132 = vector.shape_cast %select_n3A_131 : vector<16xi32> to vector<16x1xi32>
      %gather3A_133 = vector.shape_cast %broadcast_in_dim3A_132 : vector<16x1xi32> to vector<16xi32>
      %gather3A_134 = tpu.dynamic_gather %min3A_121[%gather3A_133] in [0] : vector<16xi32>, vector<16xi32> -> vector<16xi32>
      %min3A_135 = arith.minsi %min3A_121, %gather3A_134 : vector<16xi32>
      %eq3A_136 = arith.cmpi eq, %iota3A, %min3A_135 : vector<16xi32>
      %select_n3A_137 = arith.select %eq3A_136, %broadcast_in_dim3A_7, %get3A_28 : vector<16xi1>, vector<16xf32>
      %xor3A_138 = arith.constant 1 : i32
      %xor3A_139 = vector.broadcast %xor3A_138 : i32 to vector<16xi32>
      %xor3A_140 = arith.xori %iota3A, %xor3A_139 : vector<16xi32>
      %lt3A_141 = arith.constant 0 : i32
      %lt3A_142 = vector.broadcast %lt3A_141 : i32 to vector<16xi32>
      %lt3A_143 = arith.cmpi slt, %xor3A_140, %lt3A_142 : vector<16xi32>
      %add3A_144 = arith.constant 16 : i32
      %add3A_145 = vector.broadcast %add3A_144 : i32 to vector<16xi32>
      %add3A_146 = arith.addi %xor3A_140, %add3A_145 : vector<16xi32>
      %select_n3A_147 = arith.select %lt3A_143, %add3A_146, %xor3A_140 : vector<16xi1>, vector<16xi32>
      %broadcast_in_dim3A_148 = vector.shape_cast %select_n3A_147 : vector<16xi32> to vector<16x1xi32>
      %gather3A_149 = vector.shape_cast %broadcast_in_dim3A_148 : vector<16x1xi32> to vector<16xi32>
      %gather3A_150 = tpu.dynamic_gather %select_n3A_137[%gather3A_149] in [0] : vector<16xf32>, vector<16xi32> -> vector<16xf32>
      %max3A_151 = arith.maximumf %select_n3A_137, %gather3A_150 : vector<16xf32>
      %xor3A_152 = arith.constant 2 : i32
      %xor3A_153 = vector.broadcast %xor3A_152 : i32 to vector<16xi32>
      %xor3A_154 = arith.xori %iota3A, %xor3A_153 : vector<16xi32>
      %lt3A_155 = arith.constant 0 : i32
      %lt3A_156 = vector.broadcast %lt3A_155 : i32 to vector<16xi32>
      %lt3A_157 = arith.cmpi slt, %xor3A_154, %lt3A_156 : vector<16xi32>
      %add3A_158 = arith.constant 16 : i32
      %add3A_159 = vector.broadcast %add3A_158 : i32 to vector<16xi32>
      %add3A_160 = arith.addi %xor3A_154, %add3A_159 : vector<16xi32>
      %select_n3A_161 = arith.select %lt3A_157, %add3A_160, %xor3A_154 : vector<16xi1>, vector<16xi32>
      %broadcast_in_dim3A_162 = vector.shape_cast %select_n3A_161 : vector<16xi32> to vector<16x1xi32>
      %gather3A_163 = vector.shape_cast %broadcast_in_dim3A_162 : vector<16x1xi32> to vector<16xi32>
      %gather3A_164 = tpu.dynamic_gather %max3A_151[%gather3A_163] in [0] : vector<16xf32>, vector<16xi32> -> vector<16xf32>
      %max3A_165 = arith.maximumf %max3A_151, %gather3A_164 : vector<16xf32>
      %xor3A_166 = arith.constant 4 : i32
      %xor3A_167 = vector.broadcast %xor3A_166 : i32 to vector<16xi32>
      %xor3A_168 = arith.xori %iota3A, %xor3A_167 : vector<16xi32>
      %lt3A_169 = arith.constant 0 : i32
      %lt3A_170 = vector.broadcast %lt3A_169 : i32 to vector<16xi32>
      %lt3A_171 = arith.cmpi slt, %xor3A_168, %lt3A_170 : vector<16xi32>
      %add3A_172 = arith.constant 16 : i32
      %add3A_173 = vector.broadcast %add3A_172 : i32 to vector<16xi32>
      %add3A_174 = arith.addi %xor3A_168, %add3A_173 : vector<16xi32>
      %select_n3A_175 = arith.select %lt3A_171, %add3A_174, %xor3A_168 : vector<16xi1>, vector<16xi32>
      %broadcast_in_dim3A_176 = vector.shape_cast %select_n3A_175 : vector<16xi32> to vector<16x1xi32>
      %gather3A_177 = vector.shape_cast %broadcast_in_dim3A_176 : vector<16x1xi32> to vector<16xi32>
      %gather3A_178 = tpu.dynamic_gather %max3A_165[%gather3A_177] in [0] : vector<16xf32>, vector<16xi32> -> vector<16xf32>
      %max3A_179 = arith.maximumf %max3A_165, %gather3A_178 : vector<16xf32>
      %xor3A_180 = arith.constant 8 : i32
      %xor3A_181 = vector.broadcast %xor3A_180 : i32 to vector<16xi32>
      %xor3A_182 = arith.xori %iota3A, %xor3A_181 : vector<16xi32>
      %lt3A_183 = arith.constant 0 : i32
      %lt3A_184 = vector.broadcast %lt3A_183 : i32 to vector<16xi32>
      %lt3A_185 = arith.cmpi slt, %xor3A_182, %lt3A_184 : vector<16xi32>
      %add3A_186 = arith.constant 16 : i32
      %add3A_187 = vector.broadcast %add3A_186 : i32 to vector<16xi32>
      %add3A_188 = arith.addi %xor3A_182, %add3A_187 : vector<16xi32>
      %select_n3A_189 = arith.select %lt3A_185, %add3A_188, %xor3A_182 : vector<16xi1>, vector<16xi32>
      %broadcast_in_dim3A_190 = vector.shape_cast %select_n3A_189 : vector<16xi32> to vector<16x1xi32>
      %gather3A_191 = vector.shape_cast %broadcast_in_dim3A_190 : vector<16x1xi32> to vector<16xi32>
      %gather3A_192 = tpu.dynamic_gather %max3A_179[%gather3A_191] in [0] : vector<16xf32>, vector<16xi32> -> vector<16xf32>
      %max3A_193 = arith.maximumf %max3A_179, %gather3A_192 : vector<16xf32>
      %eq3A_194 = arith.cmpf oeq, %select_n3A_137, %max3A_193 : vector<16xf32>
      %select_n3A_195 = arith.select %eq3A_194, %iota3A, %broadcast_in_dim3A_13 : vector<16xi1>, vector<16xi32>
      %xor3A_196 = arith.constant 1 : i32
      %xor3A_197 = vector.broadcast %xor3A_196 : i32 to vector<16xi32>
      %xor3A_198 = arith.xori %iota3A, %xor3A_197 : vector<16xi32>
      %lt3A_199 = arith.constant 0 : i32
      %lt3A_200 = vector.broadcast %lt3A_199 : i32 to vector<16xi32>
      %lt3A_201 = arith.cmpi slt, %xor3A_198, %lt3A_200 : vector<16xi32>
      %add3A_202 = arith.constant 16 : i32
      %add3A_203 = vector.broadcast %add3A_202 : i32 to vector<16xi32>
      %add3A_204 = arith.addi %xor3A_198, %add3A_203 : vector<16xi32>
      %select_n3A_205 = arith.select %lt3A_201, %add3A_204, %xor3A_198 : vector<16xi1>, vector<16xi32>
      %broadcast_in_dim3A_206 = vector.shape_cast %select_n3A_205 : vector<16xi32> to vector<16x1xi32>
      %gather3A_207 = vector.shape_cast %broadcast_in_dim3A_206 : vector<16x1xi32> to vector<16xi32>
      %gather3A_208 = tpu.dynamic_gather %select_n3A_195[%gather3A_207] in [0] : vector<16xi32>, vector<16xi32> -> vector<16xi32>
      %min3A_209 = arith.minsi %select_n3A_195, %gather3A_208 : vector<16xi32>
      %xor3A_210 = arith.constant 2 : i32
      %xor3A_211 = vector.broadcast %xor3A_210 : i32 to vector<16xi32>
      %xor3A_212 = arith.xori %iota3A, %xor3A_211 : vector<16xi32>
      %lt3A_213 = arith.constant 0 : i32
      %lt3A_214 = vector.broadcast %lt3A_213 : i32 to vector<16xi32>
      %lt3A_215 = arith.cmpi slt, %xor3A_212, %lt3A_214 : vector<16xi32>
      %add3A_216 = arith.constant 16 : i32
      %add3A_217 = vector.broadcast %add3A_216 : i32 to vector<16xi32>
      %add3A_218 = arith.addi %xor3A_212, %add3A_217 : vector<16xi32>
      %select_n3A_219 = arith.select %lt3A_215, %add3A_218, %xor3A_212 : vector<16xi1>, vector<16xi32>
      %broadcast_in_dim3A_220 = vector.shape_cast %select_n3A_219 : vector<16xi32> to vector<16x1xi32>
      %gather3A_221 = vector.shape_cast %broadcast_in_dim3A_220 : vector<16x1xi32> to vector<16xi32>
      %gather3A_222 = tpu.dynamic_gather %min3A_209[%gather3A_221] in [0] : vector<16xi32>, vector<16xi32> -> vector<16xi32>
      %min3A_223 = arith.minsi %min3A_209, %gather3A_222 : vector<16xi32>
      %xor3A_224 = arith.constant 4 : i32
      %xor3A_225 = vector.broadcast %xor3A_224 : i32 to vector<16xi32>
      %xor3A_226 = arith.xori %iota3A, %xor3A_225 : vector<16xi32>
      %lt3A_227 = arith.constant 0 : i32
      %lt3A_228 = vector.broadcast %lt3A_227 : i32 to vector<16xi32>
      %lt3A_229 = arith.cmpi slt, %xor3A_226, %lt3A_228 : vector<16xi32>
      %add3A_230 = arith.constant 16 : i32
      %add3A_231 = vector.broadcast %add3A_230 : i32 to vector<16xi32>
      %add3A_232 = arith.addi %xor3A_226, %add3A_231 : vector<16xi32>
      %select_n3A_233 = arith.select %lt3A_229, %add3A_232, %xor3A_226 : vector<16xi1>, vector<16xi32>
      %broadcast_in_dim3A_234 = vector.shape_cast %select_n3A_233 : vector<16xi32> to vector<16x1xi32>
      %gather3A_235 = vector.shape_cast %broadcast_in_dim3A_234 : vector<16x1xi32> to vector<16xi32>
      %gather3A_236 = tpu.dynamic_gather %min3A_223[%gather3A_235] in [0] : vector<16xi32>, vector<16xi32> -> vector<16xi32>
      %min3A_237 = arith.minsi %min3A_223, %gather3A_236 : vector<16xi32>
      %xor3A_238 = arith.constant 8 : i32
      %xor3A_239 = vector.broadcast %xor3A_238 : i32 to vector<16xi32>
      %xor3A_240 = arith.xori %iota3A, %xor3A_239 : vector<16xi32>
      %lt3A_241 = arith.constant 0 : i32
      %lt3A_242 = vector.broadcast %lt3A_241 : i32 to vector<16xi32>
      %lt3A_243 = arith.cmpi slt, %xor3A_240, %lt3A_242 : vector<16xi32>
      %add3A_244 = arith.constant 16 : i32
      %add3A_245 = vector.broadcast %add3A_244 : i32 to vector<16xi32>
      %add3A_246 = arith.addi %xor3A_240, %add3A_245 : vector<16xi32>
      %select_n3A_247 = arith.select %lt3A_243, %add3A_246, %xor3A_240 : vector<16xi1>, vector<16xi32>
      %broadcast_in_dim3A_248 = vector.shape_cast %select_n3A_247 : vector<16xi32> to vector<16x1xi32>
      %gather3A_249 = vector.shape_cast %broadcast_in_dim3A_248 : vector<16x1xi32> to vector<16xi32>
      %gather3A_250 = tpu.dynamic_gather %min3A_237[%gather3A_249] in [0] : vector<16xi32>, vector<16xi32> -> vector<16xi32>
      %min3A_251 = arith.minsi %min3A_237, %gather3A_250 : vector<16xi32>
      %eq3A_252 = arith.cmpi eq, %iota3A, %min3A_251 : vector<16xi32>
      %sub3A = arith.subf %get3A_28, %max3A_79 : vector<16xf32>
      %exp3A = math.exp %sub3A : vector<16xf32>
      %xor3A_253 = arith.constant 1 : i32
      %xor3A_254 = vector.broadcast %xor3A_253 : i32 to vector<16xi32>
      %xor3A_255 = arith.xori %iota3A, %xor3A_254 : vector<16xi32>
      %lt3A_256 = arith.constant 0 : i32
      %lt3A_257 = vector.broadcast %lt3A_256 : i32 to vector<16xi32>
      %lt3A_258 = arith.cmpi slt, %xor3A_255, %lt3A_257 : vector<16xi32>
      %add3A_259 = arith.constant 16 : i32
      %add3A_260 = vector.broadcast %add3A_259 : i32 to vector<16xi32>
      %add3A_261 = arith.addi %xor3A_255, %add3A_260 : vector<16xi32>
      %select_n3A_262 = arith.select %lt3A_258, %add3A_261, %xor3A_255 : vector<16xi1>, vector<16xi32>
      %broadcast_in_dim3A_263 = vector.shape_cast %select_n3A_262 : vector<16xi32> to vector<16x1xi32>
      %gather3A_264 = vector.shape_cast %broadcast_in_dim3A_263 : vector<16x1xi32> to vector<16xi32>
      %gather3A_265 = tpu.dynamic_gather %exp3A[%gather3A_264] in [0] : vector<16xf32>, vector<16xi32> -> vector<16xf32>
      %add3A_266 = arith.addf %exp3A, %gather3A_265 : vector<16xf32>
      %xor3A_267 = arith.constant 2 : i32
      %xor3A_268 = vector.broadcast %xor3A_267 : i32 to vector<16xi32>
      %xor3A_269 = arith.xori %iota3A, %xor3A_268 : vector<16xi32>
      %lt3A_270 = arith.constant 0 : i32
      %lt3A_271 = vector.broadcast %lt3A_270 : i32 to vector<16xi32>
      %lt3A_272 = arith.cmpi slt, %xor3A_269, %lt3A_271 : vector<16xi32>
      %add3A_273 = arith.constant 16 : i32
      %add3A_274 = vector.broadcast %add3A_273 : i32 to vector<16xi32>
      %add3A_275 = arith.addi %xor3A_269, %add3A_274 : vector<16xi32>
      %select_n3A_276 = arith.select %lt3A_272, %add3A_275, %xor3A_269 : vector<16xi1>, vector<16xi32>
      %broadcast_in_dim3A_277 = vector.shape_cast %select_n3A_276 : vector<16xi32> to vector<16x1xi32>
      %gather3A_278 = vector.shape_cast %broadcast_in_dim3A_277 : vector<16x1xi32> to vector<16xi32>
      %gather3A_279 = tpu.dynamic_gather %add3A_266[%gather3A_278] in [0] : vector<16xf32>, vector<16xi32> -> vector<16xf32>
      %add3A_280 = arith.addf %add3A_266, %gather3A_279 : vector<16xf32>
      %xor3A_281 = arith.constant 4 : i32
      %xor3A_282 = vector.broadcast %xor3A_281 : i32 to vector<16xi32>
      %xor3A_283 = arith.xori %iota3A, %xor3A_282 : vector<16xi32>
      %lt3A_284 = arith.constant 0 : i32
      %lt3A_285 = vector.broadcast %lt3A_284 : i32 to vector<16xi32>
      %lt3A_286 = arith.cmpi slt, %xor3A_283, %lt3A_285 : vector<16xi32>
      %add3A_287 = arith.constant 16 : i32
      %add3A_288 = vector.broadcast %add3A_287 : i32 to vector<16xi32>
      %add3A_289 = arith.addi %xor3A_283, %add3A_288 : vector<16xi32>
      %select_n3A_290 = arith.select %lt3A_286, %add3A_289, %xor3A_283 : vector<16xi1>, vector<16xi32>
      %broadcast_in_dim3A_291 = vector.shape_cast %select_n3A_290 : vector<16xi32> to vector<16x1xi32>
      %gather3A_292 = vector.shape_cast %broadcast_in_dim3A_291 : vector<16x1xi32> to vector<16xi32>
      %gather3A_293 = tpu.dynamic_gather %add3A_280[%gather3A_292] in [0] : vector<16xf32>, vector<16xi32> -> vector<16xf32>
      %add3A_294 = arith.addf %add3A_280, %gather3A_293 : vector<16xf32>
      %xor3A_295 = arith.constant 8 : i32
      %xor3A_296 = vector.broadcast %xor3A_295 : i32 to vector<16xi32>
      %xor3A_297 = arith.xori %iota3A, %xor3A_296 : vector<16xi32>
      %lt3A_298 = arith.constant 0 : i32
      %lt3A_299 = vector.broadcast %lt3A_298 : i32 to vector<16xi32>
      %lt3A_300 = arith.cmpi slt, %xor3A_297, %lt3A_299 : vector<16xi32>
      %add3A_301 = arith.constant 16 : i32
      %add3A_302 = vector.broadcast %add3A_301 : i32 to vector<16xi32>
      %add3A_303 = arith.addi %xor3A_297, %add3A_302 : vector<16xi32>
      %select_n3A_304 = arith.select %lt3A_300, %add3A_303, %xor3A_297 : vector<16xi1>, vector<16xi32>
      %broadcast_in_dim3A_305 = vector.shape_cast %select_n3A_304 : vector<16xi32> to vector<16x1xi32>
      %gather3A_306 = vector.shape_cast %broadcast_in_dim3A_305 : vector<16x1xi32> to vector<16xi32>
      %gather3A_307 = tpu.dynamic_gather %add3A_294[%gather3A_306] in [0] : vector<16xf32>, vector<16xi32> -> vector<16xf32>
      %add3A_308 = arith.addf %add3A_294, %gather3A_307 : vector<16xf32>
      %div3A = arith.divf %broadcast_in_dim3A_9, %add3A_308 : vector<16xf32>
      %lt3A_309 = arith.constant 0 : i32
      %lt3A_310 = vector.broadcast %lt3A_309 : i32 to vector<16xi32>
      %lt3A_311 = arith.cmpi slt, %min3A_251, %lt3A_310 : vector<16xi32>
      %add3A_312 = arith.constant 16 : i32
      %add3A_313 = vector.broadcast %add3A_312 : i32 to vector<16xi32>
      %add3A_314 = arith.addi %min3A_251, %add3A_313 : vector<16xi32>
      %select_n3A_315 = arith.select %lt3A_311, %add3A_314, %min3A_251 : vector<16xi1>, vector<16xi32>
      %broadcast_in_dim3A_316 = vector.shape_cast %select_n3A_315 : vector<16xi32> to vector<16x1xi32>
      %gather3A_317 = vector.shape_cast %broadcast_in_dim3A_316 : vector<16x1xi32> to vector<16xi32>
      %gather3A_318 = tpu.dynamic_gather %exp3A[%gather3A_317] in [0] : vector<16xf32>, vector<16xi32> -> vector<16xf32>
      %div3A_319 = arith.divf %gather3A_318, %add3A_308 : vector<16xf32>
      %lt3A_320 = arith.constant 0 : i32
      %lt3A_321 = vector.broadcast %lt3A_320 : i32 to vector<16xi32>
      %lt3A_322 = arith.cmpi slt, %min3A_135, %lt3A_321 : vector<16xi32>
      %add3A_323 = arith.constant 16 : i32
      %add3A_324 = vector.broadcast %add3A_323 : i32 to vector<16xi32>
      %add3A_325 = arith.addi %min3A_135, %add3A_324 : vector<16xi32>
      %select_n3A_326 = arith.select %lt3A_322, %add3A_325, %min3A_135 : vector<16xi1>, vector<16xi32>
      %broadcast_in_dim3A_327 = vector.shape_cast %select_n3A_326 : vector<16xi32> to vector<16x1xi32>
      %gather3A_328 = vector.shape_cast %broadcast_in_dim3A_327 : vector<16x1xi32> to vector<16xi32>
      %gather3A_329 = tpu.dynamic_gather %scan3A_24[%gather3A_328] in [0] : vector<16xi32>, vector<16xi32> -> vector<16xi32>
      %lt3A_330 = arith.constant 0 : i32
      %lt3A_331 = vector.broadcast %lt3A_330 : i32 to vector<16xi32>
      %lt3A_332 = arith.cmpi slt, %min3A_251, %lt3A_331 : vector<16xi32>
      %add3A_333 = arith.constant 16 : i32
      %add3A_334 = vector.broadcast %add3A_333 : i32 to vector<16xi32>
      %add3A_335 = arith.addi %min3A_251, %add3A_334 : vector<16xi32>
      %select_n3A_336 = arith.select %lt3A_332, %add3A_335, %min3A_251 : vector<16xi1>, vector<16xi32>
      %broadcast_in_dim3A_337 = vector.shape_cast %select_n3A_336 : vector<16xi32> to vector<16x1xi32>
      %gather3A_338 = vector.shape_cast %broadcast_in_dim3A_337 : vector<16x1xi32> to vector<16xi32>
      %gather3A_339 = tpu.dynamic_gather %scan3A_25[%gather3A_338] in [0] : vector<16xi32>, vector<16xi32> -> vector<16xi32>
      %select_n3A_340 = arith.select %eq3A_252, %div3A_319, %broadcast_in_dim3A_3 : vector<16xi1>, vector<16xf32>
      %select_n3A_341 = arith.select %eq3A_136, %div3A, %select_n3A_340 : vector<16xi1>, vector<16xf32>
      %swap3A = arith.index_cast %scan3A_23 : i32 to index
      %swap3A_342 = arith.constant 0 : index
      %swap3A_343 = tpu.vector_load %arg6[%swap3A, %swap3A_342] {strides = array<i32>} : memref<64x16xf32, #tpu.memory_space<vmem>>, vector<1x16xf32>,
      %swap3A_344 = vector.shape_cast %swap3A_343 : vector<1x16xf32> to vector<16xf32>
      %swap3A_345 = vector.shape_cast %select_n3A_341 : vector<16xf32> to vector<1x16xf32>
      tpu.vector_store %arg6[%swap3A, %swap3A_342], %swap3A_345 {strides = array<i32>} : memref<64x16xf32, #tpu.memory_space<vmem>>, vector<1x16xf32>,
      %add3A_346 = arith.addi %gather3A_339, %broadcast_in_dim3A_15 : vector<16xi32>
      %select_n3A_347 = arith.select %eq3A_252, %add3A_346, %broadcast_in_dim3A_17 : vector<16xi1>, vector<16xi32>
      %select_n3A_348 = arith.select %eq3A_136, %gather3A_329, %select_n3A_347 : vector<16xi1>, vector<16xi32>
      %swap3A_349 = arith.index_cast %scan3A_23 : i32 to index
      %swap3A_350 = arith.constant 0 : index
      %swap3A_351 = tpu.vector_load %arg7[%swap3A_349, %swap3A_350] {strides = array<i32>} : memref<64x16xi32, #tpu.memory_space<vmem>>, vector<1x16xi32>,
      %swap3A_352 = vector.shape_cast %swap3A_351 : vector<1x16xi32> to vector<16xi32>
      %swap3A_353 = vector.shape_cast %select_n3A_348 : vector<16xi32> to vector<1x16xi32>
      tpu.vector_store %arg7[%swap3A_349, %swap3A_350], %swap3A_353 {strides = array<i32>} : memref<64x16xi32, #tpu.memory_space<vmem>>, vector<1x16xi32>,
      %select_n3A_354 = arith.select %eq3A_136, %broadcast_in_dim3A_11, %broadcast_in_dim3A_5 : vector<16xi1>, vector<16xi32>
      %add3A_355 = arith.addi %scan3A_24, %select_n3A_354 : vector<16xi32>
      %select_n3A_356 = arith.select %eq3A_252, %broadcast_in_dim3A_11, %broadcast_in_dim3A_5 : vector<16xi1>, vector<16xi32>
      %add3A_357 = arith.addi %scan3A_25, %select_n3A_356 : vector<16xi32>
      scf.yield %add3A_355, %add3A_357 : vector<16xi32>, vector<16xi32>
    }
    %scan3A_22 = arith.constant 64 : i32
    "tpu.region"() ({
      %run_scoped3A = tpu.sem_alloc : memref<!tpu.dma_semaphore, #tpu.memory_space<semaphore_mem>>
      %dma_start3A = arith.constant 0 : i32
      %dma_start3A_23 = tpu.memref_slice %arg3[%mul3A_2, %dma_start3A] : memref<2048x16xf32, #tpu.memory_space<hbm>> -> memref<64x16xf32, #tpu.memory_space<hbm>>
      %dma_start3A_24 = arith.constant 0 : i32
      %dma_start3A_25 = tpu.memref_slice %arg3[%mul3A_2, %dma_start3A_24] : memref<2048x16xf32, #tpu.memory_space<hbm>> -> memref<64x16xf32, #tpu.memory_space<hbm>>
      tpu.enqueue_dma source(%arg6 : memref<64x16xf32, #tpu.memory_space<vmem>>) target(%dma_start3A_25 : memref<64x16xf32, #tpu.memory_space<hbm>>) target_semaphore(%run_scoped3A : memref<!tpu.dma_semaphore, #tpu.memory_space<semaphore_mem>>)
      %dma_wait3A = arith.constant 0 : i32
      %dma_wait3A_26 = tpu.memref_slice %arg3[%mul3A_2, %dma_wait3A] : memref<2048x16xf32, #tpu.memory_space<hbm>> -> memref<64x16xf32, #tpu.memory_space<hbm>>
      %dma_wait3A_27 = arith.constant 0 : i32
      %dma_wait3A_28 = tpu.memref_slice %arg3[%mul3A_2, %dma_wait3A_27] : memref<2048x16xf32, #tpu.memory_space<hbm>> -> memref<64x16xf32, #tpu.memory_space<hbm>>
      tpu.wait_dma2 semaphore(%run_scoped3A : memref<!tpu.dma_semaphore, #tpu.memory_space<semaphore_mem>>) src(%arg6 : memref<64x16xf32, #tpu.memory_space<vmem>>) dst(%dma_wait3A_28 : memref<64x16xf32, #tpu.memory_space<hbm>>)
      tpu.yield
    }) : () -> ()
    "tpu.region"() ({
      %run_scoped3A = tpu.sem_alloc : memref<!tpu.dma_semaphore, #tpu.memory_space<semaphore_mem>>
      %dma_start3A = arith.constant 0 : i32
      %dma_start3A_23 = tpu.memref_slice %arg4[%mul3A_2, %dma_start3A] : memref<2048x16xi32, #tpu.memory_space<hbm>> -> memref<64x16xi32, #tpu.memory_space<hbm>>
      %dma_start3A_24 = arith.constant 0 : i32
      %dma_start3A_25 = tpu.memref_slice %arg4[%mul3A_2, %dma_start3A_24] : memref<2048x16xi32, #tpu.memory_space<hbm>> -> memref<64x16xi32, #tpu.memory_space<hbm>>
      tpu.enqueue_dma source(%arg7 : memref<64x16xi32, #tpu.memory_space<vmem>>) target(%dma_start3A_25 : memref<64x16xi32, #tpu.memory_space<hbm>>) target_semaphore(%run_scoped3A : memref<!tpu.dma_semaphore, #tpu.memory_space<semaphore_mem>>)
      %dma_wait3A = arith.constant 0 : i32
      %dma_wait3A_26 = tpu.memref_slice %arg4[%mul3A_2, %dma_wait3A] : memref<2048x16xi32, #tpu.memory_space<hbm>> -> memref<64x16xi32, #tpu.memory_space<hbm>>
      %dma_wait3A_27 = arith.constant 0 : i32
      %dma_wait3A_28 = tpu.memref_slice %arg4[%mul3A_2, %dma_wait3A_27] : memref<2048x16xi32, #tpu.memory_space<hbm>> -> memref<64x16xi32, #tpu.memory_space<hbm>>
      tpu.wait_dma2 semaphore(%run_scoped3A : memref<!tpu.dma_semaphore, #tpu.memory_space<semaphore_mem>>) src(%arg7 : memref<64x16xi32, #tpu.memory_space<vmem>>) dst(%dma_wait3A_28 : memref<64x16xi32, #tpu.memory_space<hbm>>)
      tpu.yield
    }) : () -> ()
    return
  }
}

module attributes {stable_mosaic.version = 14 : i64} {
  func.func @_tc_build_kernel(%arg0: i32, %arg1: memref<2048x16xf32, #tpu.memory_space<vmem>>, %arg2: memref<2048x16xi32, #tpu.memory_space<vmem>>, %arg3: memref<256x16x256xf32, #tpu.memory_space<vmem>>, %arg4: memref<256x16x256xi32, #tpu.memory_space<vmem>>, %arg5: memref<2048x16xf32, #tpu.memory_space<vmem>>, %arg6: memref<2048x16xi32, #tpu.memory_space<vmem>>) attributes {dimension_semantics = [#tpu.dimension_semantics<arbitrary>], iteration_bounds = array<i64: 8>, scalar_prefetch = 0 : i64, scratch_operands = 2 : i64, tpu.core_type = #tpu.core_type<tc>, window_params = [{pipeline_mode = #tpu.pipeline_mode<synchronous>, transform_indices = @transform_0, window_bounds = array<i64: 2048, 16>}, {pipeline_mode = #tpu.pipeline_mode<synchronous>, transform_indices = @transform_1, window_bounds = array<i64: 2048, 16>}, {transform_indices = @transform_2, window_bounds = array<i64: 256, 16, 256>}, {transform_indices = @transform_3, window_bounds = array<i64: 256, 16, 256>}]} {
    %eq3A = arith.constant 0 : i32
    %eq3A_0 = arith.cmpi eq, %arg0, %eq3A : i32
    %convert_element_type3A = arith.extui %eq3A_0 : i1 to i32
    %cond3A = arith.constant 0 : i32
    %cond3A_1 = arith.cmpi ne, %convert_element_type3A, %cond3A : i32
    scf.if %cond3A_1 {
      %get3A_24 = arith.constant 0 : index
      %get3A_25 = arith.constant 0 : index
      %get3A_26 = vector.load %arg1[%get3A_24, %get3A_25] : memref<2048x16xf32, #tpu.memory_space<vmem>>, vector<2048x16xf32>
      %get3A_27 = arith.constant 0 : index
      %get3A_28 = arith.constant 0 : index
      %get3A_29 = vector.load %arg2[%get3A_27, %get3A_28] : memref<2048x16xi32, #tpu.memory_space<vmem>>, vector<2048x16xi32>
      %ge3A = arith.constant 0 : i32
      %ge3A_30 = vector.broadcast %ge3A : i32 to vector<2048x16xi32>
      %ge3A_31 = arith.cmpi sge, %get3A_29, %ge3A_30 : vector<2048x16xi32>
      %lt3A = arith.constant 256 : i32
      %lt3A_32 = vector.broadcast %lt3A : i32 to vector<2048x16xi32>
      %lt3A_33 = arith.cmpi slt, %get3A_29, %lt3A_32 : vector<2048x16xi32>
      %and3A = arith.andi %ge3A_31, %lt3A_33 : vector<2048x16xi1>
      %ge3A_34 = arith.constant 256 : i32
      %ge3A_35 = vector.broadcast %ge3A_34 : i32 to vector<2048x16xi32>
      %ge3A_36 = arith.cmpi sge, %get3A_29, %ge3A_35 : vector<2048x16xi32>
      %sub3A = arith.constant 256 : i32
      %sub3A_37 = vector.broadcast %sub3A : i32 to vector<2048x16xi32>
      %sub3A_38 = arith.subi %get3A_29, %sub3A_37 : vector<2048x16xi32>
      %select_n3A_39 = arith.select %ge3A_36, %sub3A_38, %get3A_29 : vector<2048x16xi1>, vector<2048x16xi32>
      %reshape3A = vector.shape_cast %select_n3A_39 : vector<2048x16xi32> to vector<32x64x16xi32>
      %reshape3A_40 = vector.shape_cast %and3A : vector<2048x16xi1> to vector<32x64x16xi1>
      %add3A = arith.constant 1 : i32
      %add3A_41 = vector.broadcast %add3A : i32 to vector<32x64x16xi32>
      %add3A_42 = arith.addi %reshape3A, %add3A_41 : vector<32x64x16xi32>
      %jit3A_43 = arith.constant 0 : i32
      %broadcast_in_dim3A_44 = vector.broadcast %jit3A_43 : i32 to vector<32x64x16xi32>
      %select_n3A_45 = arith.select %reshape3A_40, %add3A_42, %broadcast_in_dim3A_44 : vector<32x64x16xi1>, vector<32x64x16xi32>
      %reshape3A_46 = vector.shape_cast %ge3A_36 : vector<2048x16xi1> to vector<32x64x16xi1>
      %add3A_47 = arith.constant 1 : i32
      %add3A_48 = vector.broadcast %add3A_47 : i32 to vector<32x64x16xi32>
      %add3A_49 = arith.addi %reshape3A, %add3A_48 : vector<32x64x16xi32>
      %jit3A_50 = arith.constant 0 : i32
      %broadcast_in_dim3A_51 = vector.broadcast %jit3A_50 : i32 to vector<32x64x16xi32>
      %select_n3A_52 = arith.select %reshape3A_46, %add3A_49, %broadcast_in_dim3A_51 : vector<32x64x16xi1>, vector<32x64x16xi32>
      %reduce_max3A = arith.constant dense<-2147483648> : vector<32x16xi32>
      %reduce_max3A_53 = vector.multi_reduction <maxsi>, %select_n3A_45, %reduce_max3A [1] : vector<32x64x16xi32> to vector<32x16xi32>
      %reduce_max3A_54 = arith.constant dense<-2147483648> : vector<32x16xi32>
      %reduce_max3A_55 = vector.multi_reduction <maxsi>, %select_n3A_52, %reduce_max3A_54 [1] : vector<32x64x16xi32> to vector<32x16xi32>
      %broadcast_in_dim3A_56 = arith.constant 0 : i32
      %broadcast_in_dim3A_57 = vector.broadcast %broadcast_in_dim3A_56 : i32 to vector<1x16xi32>
      %slice3A = vector.extract_strided_slice %reduce_max3A_53 {offsets = [0, 0], sizes = [31, 16], strides = [1, 1]} : vector<32x16xi32> to vector<31x16xi32>
      %concatenate3A = tpu.concatenate %broadcast_in_dim3A_57, %slice3A in 0 : vector<1x16xi32>, vector<31x16xi32> -> vector<32x16xi32>
      %add3A_58 = arith.addi %reduce_max3A_53, %concatenate3A : vector<32x16xi32>
      %broadcast_in_dim3A_59 = arith.constant 0 : i32
      %broadcast_in_dim3A_60 = vector.broadcast %broadcast_in_dim3A_59 : i32 to vector<2x16xi32>
      %slice3A_61 = vector.extract_strided_slice %add3A_58 {offsets = [0, 0], sizes = [30, 16], strides = [1, 1]} : vector<32x16xi32> to vector<30x16xi32>
      %concatenate3A_62 = tpu.concatenate %broadcast_in_dim3A_60, %slice3A_61 in 0 : vector<2x16xi32>, vector<30x16xi32> -> vector<32x16xi32>
      %add3A_63 = arith.addi %add3A_58, %concatenate3A_62 : vector<32x16xi32>
      %broadcast_in_dim3A_64 = arith.constant 0 : i32
      %broadcast_in_dim3A_65 = vector.broadcast %broadcast_in_dim3A_64 : i32 to vector<4x16xi32>
      %slice3A_66 = vector.extract_strided_slice %add3A_63 {offsets = [0, 0], sizes = [28, 16], strides = [1, 1]} : vector<32x16xi32> to vector<28x16xi32>
      %concatenate3A_67 = tpu.concatenate %broadcast_in_dim3A_65, %slice3A_66 in 0 : vector<4x16xi32>, vector<28x16xi32> -> vector<32x16xi32>
      %add3A_68 = arith.addi %add3A_63, %concatenate3A_67 : vector<32x16xi32>
      %broadcast_in_dim3A_69 = arith.constant 0 : i32
      %broadcast_in_dim3A_70 = vector.broadcast %broadcast_in_dim3A_69 : i32 to vector<8x16xi32>
      %slice3A_71 = vector.extract_strided_slice %add3A_68 {offsets = [0, 0], sizes = [24, 16], strides = [1, 1]} : vector<32x16xi32> to vector<24x16xi32>
      %concatenate3A_72 = tpu.concatenate %broadcast_in_dim3A_70, %slice3A_71 in 0 : vector<8x16xi32>, vector<24x16xi32> -> vector<32x16xi32>
      %add3A_73 = arith.addi %add3A_68, %concatenate3A_72 : vector<32x16xi32>
      %broadcast_in_dim3A_74 = arith.constant 0 : i32
      %broadcast_in_dim3A_75 = vector.broadcast %broadcast_in_dim3A_74 : i32 to vector<16x16xi32>
      %slice3A_76 = vector.extract_strided_slice %add3A_73 {offsets = [0, 0], sizes = [16, 16], strides = [1, 1]} : vector<32x16xi32> to vector<16x16xi32>
      %concatenate3A_77 = tpu.concatenate %broadcast_in_dim3A_75, %slice3A_76 in 0 : vector<16x16xi32>, vector<16x16xi32> -> vector<32x16xi32>
      %add3A_78 = arith.addi %add3A_73, %concatenate3A_77 : vector<32x16xi32>
      %sub3A_79 = arith.subi %add3A_78, %reduce_max3A_53 : vector<32x16xi32>
      %broadcast_in_dim3A_80 = arith.constant 0 : i32
      %broadcast_in_dim3A_81 = vector.broadcast %broadcast_in_dim3A_80 : i32 to vector<1x16xi32>
      %slice3A_82 = vector.extract_strided_slice %reduce_max3A_55 {offsets = [0, 0], sizes = [31, 16], strides = [1, 1]} : vector<32x16xi32> to vector<31x16xi32>
      %concatenate3A_83 = tpu.concatenate %broadcast_in_dim3A_81, %slice3A_82 in 0 : vector<1x16xi32>, vector<31x16xi32> -> vector<32x16xi32>
      %add3A_84 = arith.addi %reduce_max3A_55, %concatenate3A_83 : vector<32x16xi32>
      %broadcast_in_dim3A_85 = arith.constant 0 : i32
      %broadcast_in_dim3A_86 = vector.broadcast %broadcast_in_dim3A_85 : i32 to vector<2x16xi32>
      %slice3A_87 = vector.extract_strided_slice %add3A_84 {offsets = [0, 0], sizes = [30, 16], strides = [1, 1]} : vector<32x16xi32> to vector<30x16xi32>
      %concatenate3A_88 = tpu.concatenate %broadcast_in_dim3A_86, %slice3A_87 in 0 : vector<2x16xi32>, vector<30x16xi32> -> vector<32x16xi32>
      %add3A_89 = arith.addi %add3A_84, %concatenate3A_88 : vector<32x16xi32>
      %broadcast_in_dim3A_90 = arith.constant 0 : i32
      %broadcast_in_dim3A_91 = vector.broadcast %broadcast_in_dim3A_90 : i32 to vector<4x16xi32>
      %slice3A_92 = vector.extract_strided_slice %add3A_89 {offsets = [0, 0], sizes = [28, 16], strides = [1, 1]} : vector<32x16xi32> to vector<28x16xi32>
      %concatenate3A_93 = tpu.concatenate %broadcast_in_dim3A_91, %slice3A_92 in 0 : vector<4x16xi32>, vector<28x16xi32> -> vector<32x16xi32>
      %add3A_94 = arith.addi %add3A_89, %concatenate3A_93 : vector<32x16xi32>
      %broadcast_in_dim3A_95 = arith.constant 0 : i32
      %broadcast_in_dim3A_96 = vector.broadcast %broadcast_in_dim3A_95 : i32 to vector<8x16xi32>
      %slice3A_97 = vector.extract_strided_slice %add3A_94 {offsets = [0, 0], sizes = [24, 16], strides = [1, 1]} : vector<32x16xi32> to vector<24x16xi32>
      %concatenate3A_98 = tpu.concatenate %broadcast_in_dim3A_96, %slice3A_97 in 0 : vector<8x16xi32>, vector<24x16xi32> -> vector<32x16xi32>
      %add3A_99 = arith.addi %add3A_94, %concatenate3A_98 : vector<32x16xi32>
      %broadcast_in_dim3A_100 = arith.constant 0 : i32
      %broadcast_in_dim3A_101 = vector.broadcast %broadcast_in_dim3A_100 : i32 to vector<16x16xi32>
      %slice3A_102 = vector.extract_strided_slice %add3A_99 {offsets = [0, 0], sizes = [16, 16], strides = [1, 1]} : vector<32x16xi32> to vector<16x16xi32>
      %concatenate3A_103 = tpu.concatenate %broadcast_in_dim3A_101, %slice3A_102 in 0 : vector<16x16xi32>, vector<16x16xi32> -> vector<32x16xi32>
      %add3A_104 = arith.addi %add3A_99, %concatenate3A_103 : vector<32x16xi32>
      %sub3A_105 = arith.subi %add3A_104, %reduce_max3A_55 : vector<32x16xi32>
      %reduce_sum3A = arith.constant dense<0> : vector<16xi32>
      %reduce_sum3A_106 = vector.multi_reduction <add>, %reduce_max3A_53, %reduce_sum3A [0] : vector<32x16xi32> to vector<16xi32>
      %broadcast_in_dim3A_107 = vector.shape_cast %reduce_sum3A_106 : vector<16xi32> to vector<1x16xi32>
      %broadcast_in_dim3A_108 = vector.shape_cast %sub3A_79 : vector<32x16xi32> to vector<32x1x16xi32>
      %broadcast_in_dim3A_109 = vector.shape_cast %broadcast_in_dim3A_108 : vector<32x1x16xi32> to vector<32x1x16xi32>
      %broadcast_in_dim3A_110 = vector.broadcast %broadcast_in_dim3A_109 : vector<32x1x16xi32> to vector<32x64x16xi32>
      %reshape3A_111 = vector.shape_cast %broadcast_in_dim3A_110 : vector<32x64x16xi32> to vector<2048x16xi32>
      %add3A_112 = vector.broadcast %broadcast_in_dim3A_107 : vector<1x16xi32> to vector<32x16xi32>
      %add3A_113 = arith.addi %sub3A_105, %add3A_112 : vector<32x16xi32>
      %broadcast_in_dim3A_114 = vector.shape_cast %add3A_113 : vector<32x16xi32> to vector<32x1x16xi32>
      %broadcast_in_dim3A_115 = vector.shape_cast %broadcast_in_dim3A_114 : vector<32x1x16xi32> to vector<32x1x16xi32>
      %broadcast_in_dim3A_116 = vector.broadcast %broadcast_in_dim3A_115 : vector<32x1x16xi32> to vector<32x64x16xi32>
      %reshape3A_117 = vector.shape_cast %broadcast_in_dim3A_116 : vector<32x64x16xi32> to vector<2048x16xi32>
      %add3A_118 = arith.addi %select_n3A_39, %reshape3A_111 : vector<2048x16xi32>
      %add3A_119 = arith.addi %select_n3A_39, %reshape3A_117 : vector<2048x16xi32>
      %jit3A_120 = arith.constant -1 : i32
      %broadcast_in_dim3A_121 = vector.broadcast %jit3A_120 : i32 to vector<2048x16xi32>
      %select_n3A_122 = arith.select %ge3A_36, %add3A_119, %broadcast_in_dim3A_121 : vector<2048x16xi1>, vector<2048x16xi32>
      %select_n3A_123 = arith.select %and3A, %add3A_118, %select_n3A_122 : vector<2048x16xi1>, vector<2048x16xi32>
      %ge3A_124 = arith.constant 0 : i32
      %ge3A_125 = vector.broadcast %ge3A_124 : i32 to vector<2048x16xi32>
      %ge3A_126 = arith.cmpi sge, %select_n3A_123, %ge3A_125 : vector<2048x16xi32>
      %lt3A_127 = arith.constant 256 : i32
      %lt3A_128 = vector.broadcast %lt3A_127 : i32 to vector<2048x16xi32>
      %lt3A_129 = arith.cmpi slt, %select_n3A_123, %lt3A_128 : vector<2048x16xi32>
      %and3A_130 = arith.andi %ge3A_126, %lt3A_129 : vector<2048x16xi1>
      %jit3A_131 = arith.constant 0.000000e+00 : f32
      %broadcast_in_dim3A_132 = vector.broadcast %jit3A_131 : f32 to vector<2048x16xf32>
      %select_n3A_133 = arith.select %and3A_130, %get3A_26, %broadcast_in_dim3A_132 : vector<2048x16xi1>, vector<2048x16xf32>
      %ne3A = arith.constant 0.000000e+00 : f32
      %ne3A_134 = vector.broadcast %ne3A : f32 to vector<2048x16xf32>
      %ne3A_135 = arith.cmpf one, %select_n3A_133, %ne3A_134 : vector<2048x16xf32>
      %and3A_136 = arith.andi %and3A_130, %ne3A_135 : vector<2048x16xi1>
      %jit3A_137 = arith.constant -1 : i32
      %broadcast_in_dim3A_138 = vector.broadcast %jit3A_137 : i32 to vector<2048x16xi32>
      %select_n3A_139 = arith.select %and3A_136, %select_n3A_123, %broadcast_in_dim3A_138 : vector<2048x16xi1>, vector<2048x16xi32>
      %swap3A_140 = arith.constant 0 : index
      %swap3A_141 = arith.constant 0 : index
      %swap3A_142 = vector.load %arg5[%swap3A_140, %swap3A_141] : memref<2048x16xf32, #tpu.memory_space<vmem>>, vector<2048x16xf32>
      tpu.vector_store %arg5[%swap3A_140, %swap3A_141], %select_n3A_133 {strides = array<i32>} : memref<2048x16xf32, #tpu.memory_space<vmem>>, vector<2048x16xf32>,
      %swap3A_143 = arith.constant 0 : index
      %swap3A_144 = arith.constant 0 : index
      %swap3A_145 = vector.load %arg6[%swap3A_143, %swap3A_144] : memref<2048x16xi32, #tpu.memory_space<vmem>>, vector<2048x16xi32>
      tpu.vector_store %arg6[%swap3A_143, %swap3A_144], %select_n3A_139 {strides = array<i32>} : memref<2048x16xi32, #tpu.memory_space<vmem>>, vector<2048x16xi32>,
    } else {
    }
    %mul3A = arith.constant 256 : i32
    %mul3A_2 = arith.muli %arg0, %mul3A : i32
    %get3A = arith.index_cast %mul3A_2 : i32 to index
    %get3A_3 = arith.constant 0 : index
    %get3A_4 = vector.load %arg5[%get3A, %get3A_3] : memref<2048x16xf32, #tpu.memory_space<vmem>>, vector<256x16xf32>
    %get3A_5 = arith.index_cast %mul3A_2 : i32 to index
    %get3A_6 = arith.constant 0 : index
    %get3A_7 = vector.load %arg6[%get3A_5, %get3A_6] : memref<2048x16xi32, #tpu.memory_space<vmem>>, vector<256x16xi32>
    %iota3A = tpu.iota {dimensions = array<i32: 2>} : vector<256x16x256xi32>
    %broadcast_in_dim3A = vector.shape_cast %get3A_7 : vector<256x16xi32> to vector<256x16x1xi32>
    %eq3A_8 = vector.broadcast %broadcast_in_dim3A : vector<256x16x1xi32> to vector<256x16x256xi32>
    %eq3A_9 = arith.cmpi eq, %iota3A, %eq3A_8 : vector<256x16x256xi32>
    %broadcast_in_dim3A_10 = vector.shape_cast %get3A_4 : vector<256x16xf32> to vector<256x16x1xf32>
    %jit3A = arith.constant 0.000000e+00 : f32
    %broadcast_in_dim3A_11 = vector.shape_cast %broadcast_in_dim3A_10 : vector<256x16x1xf32> to vector<256x16x1xf32>
    %broadcast_in_dim3A_12 = vector.broadcast %broadcast_in_dim3A_11 : vector<256x16x1xf32> to vector<256x16x256xf32>
    %broadcast_in_dim3A_13 = vector.broadcast %jit3A : f32 to vector<256x16x256xf32>
    %select_n3A = arith.select %eq3A_9, %broadcast_in_dim3A_12, %broadcast_in_dim3A_13 : vector<256x16x256xi1>, vector<256x16x256xf32>
    %swap3A = arith.constant 0 : index
    %swap3A_14 = arith.constant 0 : index
    %swap3A_15 = arith.constant 0 : index
    %swap3A_16 = vector.load %arg3[%swap3A, %swap3A_14, %swap3A_15] : memref<256x16x256xf32, #tpu.memory_space<vmem>>, vector<256x16x256xf32>
    tpu.vector_store %arg3[%swap3A, %swap3A_14, %swap3A_15], %select_n3A {strides = array<i32>} : memref<256x16x256xf32, #tpu.memory_space<vmem>>, vector<256x16x256xf32>,
    %swap3A_17 = arith.constant 0 : index
    %swap3A_18 = arith.constant 0 : index
    %swap3A_19 = arith.constant 0 : index
    %swap3A_20 = vector.load %arg4[%swap3A_17, %swap3A_18, %swap3A_19] : memref<256x16x256xi32, #tpu.memory_space<vmem>>, vector<256x16x256xi32>
    %swap3A_21 = arith.extui %eq3A_9 : vector<256x16x256xi1> to vector<256x16x256xi32>
    %swap3A_22 = arith.constant dense<0> : vector<256x16x256xi32>
    %swap3A_23 = arith.cmpi ne, %swap3A_20, %swap3A_22 : vector<256x16x256xi32>
    tpu.vector_store %arg4[%swap3A_17, %swap3A_18, %swap3A_19], %swap3A_21 {strides = array<i32>} : memref<256x16x256xi32, #tpu.memory_space<vmem>>, vector<256x16x256xi32>,
    return
  }
  func.func @transform_0(%arg0: i32) -> (i32, i32) {
    %c0_i32 = arith.constant 0 : i32
    %c0_i32_0 = arith.constant 0 : i32
    %c0_i32_1 = arith.constant 0 : i32
    return %c0_i32, %c0_i32_0 : i32, i32
  }
  func.func @transform_1(%arg0: i32) -> (i32, i32) {
    %c0_i32 = arith.constant 0 : i32
    %c0_i32_0 = arith.constant 0 : i32
    %c0_i32_1 = arith.constant 0 : i32
    return %c0_i32, %c0_i32_0 : i32, i32
  }
  func.func @transform_2(%arg0: i32) -> (i32, i32, i32) {
    %c0_i32 = arith.constant 0 : i32
    %c0_i32_0 = arith.constant 0 : i32
    %c0_i32_1 = arith.constant 0 : i32
    return %arg0, %c0_i32, %c0_i32_0 : i32, i32, i32
  }
  func.func @transform_3(%arg0: i32) -> (i32, i32, i32) {
    %c0_i32 = arith.constant 0 : i32
    %c0_i32_0 = arith.constant 0 : i32
    %c0_i32_1 = arith.constant 0 : i32
    return %arg0, %c0_i32, %c0_i32_0 : i32, i32, i32
  }
}

</mosaic_0001>

<sc_bundles>
// kernel: kernel.4.cloned.1.call-start
scs
__scs_entry_jumppad:
0x0: {  	(pc) =	sbr.rel $0x88, $3  }
0x1: {  	(tag) =	ssettag $0x0;
	lr =	simm.s32 $0x1  }
0x2: {  	[smem:$0x3FA0] =	sst lr;
	_ =	strace $0xD0000000  }
0x3: {  	_ = 	snop  }
0x4: {  	_ = 	snop  }
0x5: {  	_ = 	snop  }
0x6: {  	_ = 	snop  }
0x7: {  	_ = 	snop  }
__scs_overlays_trampoline_lowered:
0x8: {  	[smem:$0x3FAF] =	sst s0  }
0x9: {  	[smem:$0x3FB0] =	sst s1  }
0xa: {  	[smem:$0x3FB1] =	sst s2  }
0xb: {  	[smem:$0x3FB2] =	sst s3  }
0xc: {  	[smem:$0x3FB3] =	sst s4  }
0xd: {  	[smem:$0x3FB4] =	sst s5  }
0xe: {  	[smem:$0x3FB5] =	sst s6  }
0xf: {  	[smem:$0x3FB6] =	sst s7  }
0x10: {  	[smem:$0x3FB7] =	sst s8  }
0x11: {  	[smem:$0x3FB8] =	sst s9;
	s0 =	simm.s32 @!p0 $0x0  }
0x12: {  	s1 =	sld [smem:$0x3F9E];
	s0 =	simm.s32 @p0 $0x1  }
0x13: {  	[smem:$0x3FB9] =	sst s0;
	s0 =	simm.s32 @!p1 $0x0  }
0x14: {  	s2 =	sld [smem:$0x3F9D];
	s0 =	simm.s32 @p1 $0x1  }
0x15: {  	[smem:$0x3FBA] =	sst s0;
	s0 =	simm.s32 @!p2 $0x0  }
0x16: {  	s3 =	sld [smem:$0x3FDB];
	s0 =	simm.s32 @p2 $0x1  }
0x17: {  	s4 =	simm.s32 $0x1BF5;
	[smem:$0x3FBC] =	sst s0  }
0x18: {  	s0 =	sld [smem:$0x3F9F];
	_ =	swait.ge [sflag:s4], $0x0  }
0x19: {  	s7 =	sld [smem:$0x3FA0]  }
0x1a: {  	s8 =	sadd.s32 $0xFFFFE003, lr  }
0x1b: {  	s9 =	sadd.s32 $0xFFFFFEF7, lr;
	s5 =	simm.s32 $0xFFFFFFFF;
	p2 =	slt.u32 s8, $0xFFFFF086  }
0x1c: {  	p1 =	slt.u32 s9, $0xF7A;
	s5 =	simm.s32 @!p2 $0x0  }
0x1d: {  	s5 =	simm.s32 @p1 $0x1;
	p0 =	seq.s32 s7, s2  }
0x1e: {  	s7 =	smul.u32 @!p0 $0xF7A, s2;
	p2 =	seq.s32 @!p0 s5, $0x0  }
0x1f: {  	s9 =	smul.u32 $0xF7A, s1;
	s8 =	simm.s32 @!p0 $0x1BF5;
	p2 =	por !p2, p0  }
0x20: {  	[sflag:s8] =	ssyncset.s32 @!p0 $0xFFFFF086;
	s6 =	sadd.s32 @!p0 s3, s7;
	s7 =	simm.s32 @!p0 $0x108  }
0x21: {  	s3 =	sadd.s32 s3, s9;
	s6 =	sadd.s32 @!p0 $0x88, s6;
	s7 =	simm.s32 @p2 $0x1082  }
0x22: {  	[simem:s7], [sflag:s8] =	dma.local @!p0 [hbm:s6], $0xF7A  }
0x23: {  	s9 =	sor.u32 $0xD0000000, s2;
	s6 =	simm.s32 $0x108;
	_ =	swait.ge @!p0 [sflag:s8], $0x0  }
0x24: {  	s3 =	sadd.s32 $0x88, s3;
	s6 =	simm.s32 @!p1 $0x1082;
	[sflag:s4] =	ssyncset.s32 $0xFFFFF086  }
0x25: {  	[simem:s6], [sflag:s4] =	dma.local [hbm:s3], $0xF7A  }
0x26: {  	[smem:$0x3FA0] =	sst s1;
	(tag) =	ssettag s2;
	_ =	strace s9  }
0x27: {  	s1 =	sld [smem:$0x3FB0]  }
0x28: {  	s2 =	sld [smem:$0x3FB1]  }
0x29: {  	s4 =	sld [smem:$0x3FB3]  }
0x2a: {  	p0 =	seq.s32 s5, $0x0;
	s5 =	sld [smem:$0x3FB4]  }
0x2b: {  	s6 =	sld [smem:$0x3FB5]  }
0x2c: {  	s7 =	sld [smem:$0x3FB6]  }
0x2d: {  	s3 =	simm.s32 $0x108;
	s8 =	sld [smem:$0x3FB7]  }
0x2e: {  	s3 =	simm.s32 @!p0 $0x1082;
	s9 =	sld [smem:$0x3FB8]  }
0x2f: {  	lr =	sadd.s32 s0, s3;
	s0 =	sld [smem:$0x3FAF]  }
0x30: {  	s3 =	sld [smem:$0x3FB2]  }
0x31: {  	[smem:$0x3FBB] =	sst s10  }
0x32: {  	s10 =	sld [smem:$0x3FB9];
	_ =	sdelay $0x3  }
0x33: {  	p0 =	seq.s32 s10, $0x1;
	s10 =	sld [smem:$0x3FBB];
	_ =	sdelay $0x3  }
0x34: {  	[smem:$0x3FBB] =	sst s10  }
0x35: {  	s10 =	sld [smem:$0x3FBA];
	_ =	sdelay $0x3  }
0x36: {  	p1 =	seq.s32 s10, $0x1;
	s10 =	sld [smem:$0x3FBB];
	_ =	sdelay $0x3  }
0x37: {  	[smem:$0x3FBB] =	sst s10  }
0x38: {  	s10 =	sld [smem:$0x3FBC]  }
0x39: {  	_ = 	snop;
	(pc) =	sbr.ind lr, $3  }
0x3a: {  	_ = 	snop  }
0x3b: {  	_ = 	snop  }
0x3c: {  	p2 =	seq.s32 s10, $0x1;
	s10 =	sld [smem:$0x3FBB]  }
0x3d: {  	_ =	shalt  }
0x3e: {  	_ =	shalt  }
0x3f: {  	_ =	shalt  }
0x40: {  	_ =	shalt  }
0x41: {  	_ =	shalt  }
0x42: {  	_ =	shalt  }
0x43: {  	_ =	shalt  }
0x44: {  	_ =	shalt  }
0x45: {  	_ =	shalt  }
0x46: {  	_ =	shalt  }
0x47: {  	_ =	shalt  }
0x48: {  	_ =	shalt  }
0x49: {  	_ =	shalt  }
0x4a: {  	_ =	shalt  }
0x4b: {  	_ =	shalt  }
0x4c: {  	_ =	shalt  }
0x4d: {  	_ =	shalt  }
0x4e: {  	_ =	shalt  }
0x4f: {  	_ =	shalt  }
0x50: {  	_ =	shalt  }
0x51: {  	_ =	shalt  }
0x52: {  	_ =	shalt  }
0x53: {  	_ =	shalt  }
0x54: {  	_ =	shalt  }
0x55: {  	_ =	shalt  }
0x56: {  	_ =	shalt  }
0x57: {  	_ =	shalt  }
0x58: {  	_ =	shalt  }
0x59: {  	_ =	shalt  }
0x5a: {  	_ =	shalt  }
0x5b: {  	_ =	shalt  }
0x5c: {  	_ =	shalt  }
0x5d: {  	_ =	shalt  }
0x5e: {  	_ =	shalt  }
0x5f: {  	_ =	shalt  }
0x60: {  	_ =	shalt  }
0x61: {  	_ =	shalt  }
0x62: {  	_ =	shalt  }
0x63: {  	_ =	shalt  }
0x64: {  	_ =	shalt  }
0x65: {  	_ =	shalt  }
0x66: {  	_ =	shalt  }
0x67: {  	_ =	shalt  }
0x68: {  	_ =	shalt  }
0x69: {  	_ =	shalt  }
0x6a: {  	_ =	shalt  }
0x6b: {  	_ =	shalt  }
0x6c: {  	_ =	shalt  }
0x6d: {  	_ =	shalt  }
0x6e: {  	_ =	shalt  }
0x6f: {  	_ =	shalt  }
0x70: {  	_ =	shalt  }
0x71: {  	_ =	shalt  }
0x72: {  	_ =	shalt  }
0x73: {  	_ =	shalt  }
0x74: {  	_ =	shalt  }
0x75: {  	_ =	shalt  }
0x76: {  	_ =	shalt  }
0x77: {  	_ =	shalt  }
0x78: {  	_ =	shalt  }
0x79: {  	_ =	shalt  }
0x7a: {  	_ =	shalt  }
0x7b: {  	_ =	shalt  }
0x7c: {  	_ =	shalt  }
0x7d: {  	_ =	shalt  }
0x7e: {  	_ =	shalt  }
0x7f: {  	_ =	shalt  }
0x80: {  	_ =	shalt  }
0x81: {  	_ =	shalt  }
0x82: {  	_ =	shalt  }
0x83: {  	_ =	shalt  }
0x84: {  	_ =	shalt  }
0x85: {  	_ =	shalt  }
0x86: {  	_ =	shalt  }
0x87: {  	_ =	shalt  }
.Lfunc_end0:
.L_simem_size_0:
called_computation_lowered:
.L_overlay_start_0:
0x88: {  	s2 =	sld [smem:$0x3FD9]  }
0x89: {  	s3 =	sld [smem:$0x3FFE];
	_ =	sdelay $0x1  }
0x8a: {  	s1 =	srdreg.scid  }
0x8b: {  	s0 =	sand.u32 $0x1, s1  }
0x8c: {  	s14 =	sshll.u32 s0, $0xA;
	s2 =	sadd.s32 s3, s2  }
0x8d: {  	s2 =	sadd.s32 s2, s14  }
0x8e: {  	[smem:$0x3FC7] =	sst s2  }
0x8f: {  	_ = 	snop  }
0x90: {  	s2 =	sld [smem:$0x3FD0];
	_ =	sdelay $0x2  }
0x91: {  	s15 =	simm.s32 $0xA;
	s4 =	simm.s32 $0x10  }
0x92: {  	[smem:s4], [sflag:s15] =	dma.local [hbm:s2], $0x1  }
0x93: {  	_ =	swait.eq [sflag:s15], $0x1  }
0x94: {  	[sflag:s15] =	ssyncset.done $0x0  }
0x95: {  	s16 =	sld [smem:$0x10];
	[sflag:s15] =	ssyncadd.s32 $0xFFFFFFFF  }
0x96: {  	s17 =	sld [smem:$0x11];
	(tm) =	ssettm $0x1  }
0x97: {  	s18 =	sld [smem:$0x3FFB];
	_ =	sdelay $0x3  }
0x98: {  	_ =	strace s18  }
0x99: {  	s4 =	sld [smem:$0x3FFC];
	_ =	sdelay $0x3  }
0x9a: {  	_ =	strace s4  }
0x9b: {  	s4 =	sld [smem:$0x3FFD];
	_ =	sdelay $0x3  }
0x9c: {  	_ =	strace s4  }
0x9d: {  	_ =	strace $0x8FFFFFFF  }
0x9e: {  	s19 =	sld [smem:$0x3FDB];
	_ =	sdelay $0x1  }
0x9f: {  	s5 =	simm.s32 $_scs_section_size  }
0xa0: {  	s6 =	simm.s32 $_size__tile_overlayer_lowered;
	s7 =	simm.s32 $_tile_overlayer_lowered  }
0xa1: {  	s22 =	simm.s32 $0x1BFF;
	s21 =	sshll.u32 s7, $0x1;
	s4 =	sadd.s32 s5, s19  }
0xa2: {  	s8 =	simm.s32 $0x0;
	s20 =	sshll.u32 s6, $0x1;
	s6 =	sadd.s32 s21, s4  }
0xa3: {  	[timem:s8], [sflag:s22] =	dma.local [hbm:s6], s20  }
0xa4: {  	_ =	swait.ge [sflag:s22], s20  }
0xa5: {  	s5 =	ssub.s32 $0x0, s20;
	[sflag:s22] =	ssyncset.done $0x0  }
0xa6: {  	[sflag:s22] =	ssyncadd.s32 s5;
	_ =	sdelay $0x1  }
0xa7: {  	s23 =	simm.s32 $0x1B8B  }
0xa8: {  	_ =	swait.ge [sflag:s23], $0x1  }
0xa9: {  	[sflag:s23] =	ssyncset.done $0x0  }
0xaa: {  	s25 =	simm.s32 $0x1B8E;
	s24 =	sld [smem:$0x3FFE];
	[sflag:s23] =	ssyncadd.s32 $0xFFFFFFFF  }
0xab: {  	s26 =	simm.s32 $execute0_lowered;
	[smem:$0x3FD2] =	sst s25  }
0xac: {  	s6 =	sshll.u32 s26, $0x1;
	_ =	strace $0x80000046;
	[dreg:$0x1] =	wrdreg $0xFFFFFFFF  }
0xad: {  	s28 =	simm.s32 $_size_execute0_lowered;
	s4 =	sadd.s32 s4, s6;
	[dreg:$0x0] =	wrdreg $0x0  }
0xae: {  	s6 =	sshll.u32 s28, $0x1;
	[dreg:$0x2] =	wrdreg s4  }
0xaf: {  	[dreg:$0x3] =	wrdreg s6  }
0xb0: {  	[dreg:$0x4] =	wrdreg $0xC0  }
0xb1: {  	_ =	task [dreg:s8], $0x5FFFF  }
0xb2: {  	[dreg:$0x1] =	wrdreg $0xFFFFFFFF  }
0xb3: {  	[dreg:$0x0] =	wrdreg $0x60  }
0xb4: {  	[dreg:$0x2] =	wrdreg s17  }
0xb5: {  	[dreg:$0x3] =	wrdreg s16  }
0xb6: {  	[dreg:$0x4] =	wrdreg s24  }
0xb7: {  	[dreg:$0x5] =	wrdreg $0x9  }
0xb8: {  	_ =	task.clear_ibuf [dreg:s8], $0x6FFFF;
	_ =	strace $0x90000046  }
0xb9: {  	s29 =	simm.s32 $0x9;
	_ =	strace $0x80000048  }
0xba: {  	_ =	swait.ge [sflag:s29], $0x1  }
0xbb: {  	[sflag:s29] =	ssyncadd.s32 $0xFFFFFFFF  }
0xbc: {  	_ =	strace $0x90000048  }
0xbd: {  	_ =	sfence  }
0xbe: {  	s30 =	sld [smem:$0x0];
	_ =	sdelay $0x2  }
0xbf: {  	s31 =	sshll.u32 s1, $0xD;
	s1 =	sshrl.u32 s1, $0x2  }
0xc0: {  	s3 =	sand.u32 $0x4000, s31;
	s1 =	sadd.s32 s1, s30  }
0xc1: {  	s0 =	sor.u32 s3, s0;
	s1 =	sshll.u32 s1, $0x11  }
0xc2: {  	s0 =	sor.u32 s1, s0  }
0xc3: {  	s0 =	sadd.s32 $0x8F2B, s0  }
0xc4: {  	[sflag:s0] =	ssyncadd.remote.s32 $0x1  }
0xc5: {  	_ =	sfence.sel $0xFFFF  }
0xc6: {  	[dreg:$0x0] =	wrdreg $0xFFFFFFFF;
	(pc) =	sbr.abs _section_cstart, $3  }
0xc7: {  	[dreg:$0x1] =	wrdreg $0xFFFFFFFF  }
0xc8: {  	_ =	task.clear_ibuf [dreg:s8], $0x2FFFF;
	_ =	strace $0x9FFFFFFF  }
0xc9: {  	(tm) =	ssettm $0x7FFFFFFF  }
tec
execute0_lowered:
.L_overlay_start_1:
0x0: {  	(tag) =	ssettag $0x1  }
0x1: {  	v0 =	vimm.s32 $0xEFCDAB89;
	v1 =	vimm.s32 $0x67452301;
	v2 =	vimm.s32 $0xDCFE98BA  }
0x2: {  	v3 =	vimm.s32 $0x54761032;
	v4 =	vimm.s32 $0xBA98FEDC;
	v5 =	vimm.s32 $0x32107654  }
0x3: {  	s3 =	rddreg [dreg:$0x0];
	v6 =	vimm.s32 $0xFEDCBA98;
	v7 =	vimm.s32 $0x76543210;
	v0 =	vunpack.c.l.s4.s8 v0  }
0x4: {  	s4 =	rddreg [dreg:$0x1];
	v1 =	vunpack.c.l.s4.s8 v1;
	v2 =	vunpack.c.l.s4.s8 v2;
	v3 =	vunpack.c.l.s4.s8 v3  }
0x5: {  	s5 =	rddreg [dreg:$0x2];
	s2 =	srdreg.scid;
	v4 =	vunpack.c.l.s4.s8 v4;
	v5 =	vunpack.c.l.s4.s8 v5;
	v6 =	vunpack.c.l.s4.s8 v6  }
0x6: {  	s0 =	rddreg [dreg:$0x3];
	s1 =	stileid.u32;
	s9 =	simm.s32 $0x4000;
	v0 =	vunpack.c.0.s8.s32 v0;
	v1 =	vunpack.c.0.s8.s32 v1;
	v2 =	vunpack.c.0.s8.s32 v2  }
0x7: {  	s10 =	simm.s32 $0x0;
	s6 =	sand.u32 $0x1, s2;
	s2 =	simm.s32 $0x0;
	v3 =	vunpack.c.0.s8.s32 v3;
	v4 =	vunpack.c.0.s8.s32 v4;
	v5 =	vunpack.c.0.s8.s32 v5  }
0x8: {  	s7 =	sshll.u32 s1, $0xB;
	s8 =	sshll.u32 s6, $0xA;
	[smem:$0x7FF] =	sst s2;
	v0 =	vcombine.low v1, v0;
	v1 =	vunpack.c.l.s4.s8 v7  }
0x9: {  	s6 =	ssub.s32 $0x2, s6;
	s7 =	sor.u32 s8, s7;
	_ =	strace $0x80000047;
	v2 =	vcombine.low v3, v2;
	v3 =	vcombine.low v5, v4;
	v4 =	vunpack.c.0.s8.s32 v6  }
0xa: {  	s31 =	sshrl.u32 s6, $0x1;
	s8 =	simm.s32 $0x2000;
	s5 =	sadd.s32 s7, s5;
	v0 =	vand.u32 $0xF, v0;
	v5 =	vunpack.c.0.s8.s32 v1  }
0xb: {  	s6 =	ssub.s32 s6, s31;
	s3 =	sadd.s32 s3, s7;
	s4 =	sadd.s32 s4, s7;
	v1 =	vand.u32 $0xF, v2;
	v2 =	vand.u32 $0xF, v3;
	v3 =	vand.u32 $0xF, v4  }
0xc: {  	s7 =	simm.s32 $0x1;
	s5 =	sadd.s32 $0xE00, s5;
	s6 =	smax.u32 s6, $0x1;
	v4 =	vlaneseq.u32;
	v3 =	vcombine.low v3, v5;
	v5 =	vimm.s32 $0x0  }
.LBB2_1:
0xd: {  	[tilespmem:s2], [sflag:$0x1] =	stream.linear.gather [hbm4b:s3+s2], $0x2000, $0x38;
	[tilespmem:$0x6000] =	vst v63  }
0xe: {  	_ =	swait.ge [sflag:s7], $0x2000  }
0xf: {  	[sflag:s7] =	ssyncset.done $0x0  }
0x10: {  	s11 =	simm.s32 $0x0;
	[sflag:s7] =	ssyncadd.s32 $0xFFFFE000  }
0x11: {  	v6 =	vld [tilespmem:s11+$0x0];
	_ =	sdelay $0x4  }
0x12: {  	v7 =	vperm.xlane v6, v0;
	_ =	sdelay $0x1  }
0x13: {  	v7 =	vmax.f32 v6, v7  }
0x14: {  	v8 =	vperm.xlane v7, v1;
	_ =	sdelay $0x1  }
0x15: {  	v7 =	vmax.f32 v7, v8  }
0x16: {  	v8 =	vperm.xlane v7, v2;
	_ =	sdelay $0x1  }
0x17: {  	v7 =	vmax.f32 v7, v8  }
0x18: {  	v8 =	vperm.xlane v7, v3;
	_ =	sdelay $0x1  }
0x19: {  	v7 =	vmax.f32 v7, v8  }
0x1a: {  	vm0 =	veq.f32 v6, v7  }
0x1b: {  	v8 =	vnsel vm0, $0x10, v4  }
0x1c: {  	v9 =	vperm.xlane v8, v0;
	_ =	sdelay $0x1  }
0x1d: {  	vm0 =	vlt.s32 v8, v9  }
0x1e: {  	v8 =	vsel vm0, v8, v9  }
0x1f: {  	v9 =	vperm.xlane v8, v1  }
0x20: {  	s12 =	simm.s32 $0x80  }
0x21: {  	v11 =	vld [tilespmem:s12+$0x0];
	vm0 =	vlt.s32 v8, v9  }
0x22: {  	v8 =	vsel vm0, v8, v9  }
0x23: {  	v9 =	vperm.xlane v8, v2;
	_ =	sdelay $0x1  }
0x24: {  	vm0 =	vlt.s32 v8, v9  }
0x25: {  	v10 =	vperm.xlane v11, v0;
	v7 =	vsub.f32 v6, v7;
	v8 =	vsel vm0, v8, v9  }
0x26: {  	v9 =	vperm.xlane v8, v3  }
0x27: {  	v10 =	vmax.f32 v11, v10;
	v7 =	vmul.f32 $1.442695020e+00, v7  }
0x28: {  	v12 =	vperm.xlane v10, v1;
	vm0 =	vlt.s32 v8, v9  }
0x29: {  	(erf) = vpow2.f32 v7;
	v8 =	vsel vm0, v8, v9  }
0x2a: {  	v7 =	vmax.f32 v10, v12;
	vm0 =	veq.s32 v8, v4  }
0x2b: {  	v9 =	vperm.xlane v7, v2;
	v6 =	vsel vm0, $0xFF61B1E6, v6  }
0x2c: {  	v10 =	vperm.xlane v6, v0  }
0x2d: {  	v7 =	vmax.f32 v7, v9  }
0x2e: {  	v9 =	vperm.xlane v7, v3;
	v10 =	vmax.f32 v6, v10  }
0x2f: {  	v12 =	vperm.xlane v10, v1  }
0x30: {  	v9 =	vmax.f32 v7, v9  }
0x31: {  	vm1 =	veq.f32 v11, v9;
	v7 =	vmax.f32 v10, v12  }
0x32: {  	v14 =	vpop (erf);
	v12 =	vnsel vm1, $0x10, v4;
	v13 =	vperm.xlane v7, v2  }
0x33: {  	v16 =	vperm.xlane v14, v0;
	v15 =	vperm.xlane v12, v0  }
0x34: {  	s13 =	simm.s32 $0x100;
	v7 =	vmax.f32 v7, v13  }
0x35: {  	v16 =	vadd.f32 v16, v14;
	v10 =	vld [tilespmem:s13+$0x0];
	vm1 =	vlt.s32 v12, v15;
	v13 =	vperm.xlane v7, v3  }
0x36: {  	v9 =	vsub.f32 v11, v9;
	v12 =	vsel vm1, v12, v15  }
0x37: {  	v17 =	vperm.xlane v16, v1;
	v15 =	vperm.xlane v12, v1;
	v13 =	vmax.f32 v7, v13  }
0x38: {  	v9 =	vmul.f32 $1.442695020e+00, v9;
	v7 =	vperm.xlane v5, v8;
	vm1 =	veq.f32 v6, v13  }
0x39: {  	vm2 =	vlt.s32 v12, v15;
	v13 =	vadd.f32 v17, v16;
	v6 =	vnsel vm1, $0x10, v4  }
0x3a: {  	v8 =	vperm.xlane v10, v0;
	v12 =	vsel vm2, v12, v15;
	v15 =	vperm.xlane v6, v0  }
0x3b: {  	v17 =	vperm.xlane v12, v2;
	v18 =	vperm.xlane v13, v2  }
0x3c: {  	(erf) = vpow2.f32 v9;
	v8 =	vmax.f32 v10, v8;
	vm1 =	vlt.s32 v6, v15  }
0x3d: {  	vm2 =	vlt.s32 v12, v17;
	v13 =	vadd.f32 v18, v13;
	v6 =	vsel vm1, v6, v15  }
0x3e: {  	v19 =	vperm.xlane v8, v1;
	v12 =	vsel vm2, v12, v17;
	v15 =	vperm.xlane v6, v1  }
0x3f: {  	v16 =	vsel vm0, $0x1, v5;
	v17 =	vperm.xlane v12, v3;
	v18 =	vperm.xlane v13, v3  }
0x40: {  	vm0 =	vmmov vm0;
	v8 =	vmax.f32 v8, v19;
	vm1 =	vlt.s32 v6, v15  }
0x41: {  	vm2 =	vlt.s32 v12, v17;
	v13 =	vadd.f32 v18, v13;
	v6 =	vsel vm1, v6, v15  }
0x42: {  	v19 =	vperm.xlane v8, v2;
	v12 =	vsel vm2, v12, v17;
	v9 =	vperm.xlane v6, v2  }
0x43: {  	v16 =	vadd.s32 v16, v5;
	vm2 =	veq.s32 v12, v4;
	(erf) = vrcp.f32 v13  }
0x44: {  	v8 =	vmax.f32 v8, v19;
	v20 =	vsel vm2, $0xFF61B1E6, v11;
	vm1 =	vlt.s32 v6, v9  }
0x45: {  	v11 =	vperm.xlane v8, v3;
	v15 =	vperm.xlane v20, v0;
	v9 =	vsel vm1, v6, v9  }
0x46: {  	v6 =	vperm.xlane v16, v12;
	v12 =	vsel vm2, $0x1, v5;
	v17 =	vperm.xlane v9, v3  }
0x47: {  	v13 =	vmax.f32 v8, v11;
	v8 =	vmax.f32 v20, v15;
	v11 =	vadd.s32 v12, v16  }
0x48: {  	vm1 =	veq.f32 v10, v13;
	v12 =	vperm.xlane v8, v1;
	vm3 =	vlt.s32 v9, v17  }
0x49: {  	v15 =	vnsel vm1, $0x10, v4;
	vm1 =	vmmov vm0;
	v9 =	vsel vm3, v9, v17  }
0x4a: {  	v16 =	vperm.xlane v15, v0;
	v17 =	vmax.f32 v8, v12;
	v18 =	vand.u32 $0xF, v9  }
0x4b: {  	s14 =	simm.s32 $0x180;
	vm0 =	vmmov vm2;
	v8 =	vpop (erf);
	v19 =	vperm.xlane v17, v2;
	v21 =	vperm.xlane v14, v18  }
0x4c: {  	v12 =	vld [tilespmem:s14+$0x0];
	vm2 =	vlt.s32 v15, v16;
	v22 =	vperm.xlane v8, v0;
	v14 =	vperm.xlane v5, v18;
	v23 =	vpop (erf)  }
0x4d: {  	v15 =	vsel vm2, v15, v16;
	v18 =	vmax.f32 v17, v19;
	v19 =	vmul.f32 v23, v21  }
0x4e: {  	vm2 =	veq.s32 v9, v4;
	v16 =	vadd.f32 v22, v8;
	v62 =	vperm.xlane v18, v3  }
0x4f: {  	v17 =	vperm.xlane v15, v1;
	v63 =	vsel vm2, $0x1, v5;
	v9 =	vnsel vm2, $0x0, v19  }
0x50: {  	v21 =	vmax.f32 v18, v62;
	v18 =	vperm.xlane v16, v1;
	v9 =	vsel vm1, v23, v9  }
0x51: {  	s15 =	simm.s32 $0x800;
	v19 =	vperm.xlane v12, v0;
	vm3 =	veq.f32 v20, v21;
	[tilespmem:s11+$0x2000] =	vst v9;
	v9 =	vadd.s32 v63, v5  }
.LBB2_2:
0x52: {  	p0 =	sne.s32 s15, $0x7E00;
	vm4 =	vlt.s32 v15, v17;
	v20 =	vnsel vm3, $0x10, v4;
	v16 =	vadd.f32 v18, v16  }
0x53: {  	v14 =	vadd.s32 $0x100, v14;
	v15 =	vsel vm4, v15, v17;
	v17 =	vperm.xlane v20, v0  }
0x54: {  	v18 =	vmax.f32 v12, v19;
	v19 =	vperm.xlane v15, v2;
	v21 =	vperm.xlane v16, v2  }
0x55: {  	v14 =	vnsel vm2, $0xFFFFFFFF, v14;
	v22 =	vperm.xlane v18, v1;
	vm3 =	vlt.s32 v20, v17  }
0x56: {  	vm2 =	vlt.s32 v15, v19;
	v17 =	vsel vm3, v20, v17;
	v16 =	vadd.f32 v21, v16  }
0x57: {  	v13 =	vsub.f32 v10, v13;
	v15 =	vsel vm2, v15, v19;
	v19 =	vperm.xlane v17, v1  }
0x58: {  	v18 =	vmax.f32 v18, v22;
	v20 =	vperm.xlane v15, v3;
	v21 =	vperm.xlane v16, v3  }
0x59: {  	v13 =	vmul.f32 $1.442695020e+00, v13;
	v22 =	vperm.xlane v18, v2;
	vm2 =	vlt.s32 v17, v19  }
0x5a: {  	vm3 =	vlt.s32 v15, v20;
	v17 =	vsel vm2, v17, v19;
	v16 =	vadd.f32 v21, v16  }
0x5b: {  	v15 =	vsel vm3, v15, v20;
	(erf) = vpow2.f32 v13;
	v13 =	vperm.xlane v17, v2  }
0x5c: {  	vm2 =	veq.s32 v15, v4;
	v15 =	vperm.xlane v11, v15;
	(erf) = vrcp.f32 v16  }
0x5d: {  	v16 =	vmax.f32 v18, v22;
	v20 =	vsel vm2, $0xFF61B1E6, v10;
	vm3 =	vlt.s32 v17, v13;
	v10 =	vmovc v12  }
0x5e: {  	v12 =	vperm.xlane v16, v3;
	v18 =	vperm.xlane v20, v0;
	v17 =	vsel vm3, v17, v13  }
0x5f: {  	v14 =	vsel vm1, v7, v14;
	v7 =	vmovc v6;
	v19 =	vsel vm2, $0x1, v5;
	v6 =	vmovc v15;
	v21 =	vperm.xlane v17, v3  }
0x60: {  	v11 =	vadd.s32 v19, v11;
	v13 =	vmax.f32 v16, v12;
	v12 =	vmax.f32 v20, v18;
	[tilespmem:s11+$0x4000] =	vst v14;
	s11 =	smov.u32 s12;
	s12 =	smov.u32 s13;
	s13 =	smov.u32 s14  }
0x61: {  	vm1 =	veq.f32 v10, v13;
	v14 =	vperm.xlane v12, v1;
	vm3 =	vlt.s32 v17, v21  }
0x62: {  	v15 =	vnsel vm1, $0x10, v4;
	vm1 =	vmmov vm0;
	v17 =	vsel vm3, v17, v21  }
0x63: {  	v16 =	vperm.xlane v15, v0;
	v18 =	vmax.f32 v12, v14;
	v14 =	vand.u32 $0xF, v17  }
0x64: {  	s14 =	sshra.s32 s15, $0x2;
	vm0 =	vmmov vm2;
	v19 =	vperm.xlane v18, v2;
	v21 =	vperm.xlane v8, v14;
	v8 =	vpop (erf)  }
0x65: {  	vm2 =	vlt.s32 v15, v16;
	v14 =	vperm.xlane v9, v14;
	v12 =	vld [tilespmem:s14+$0x0];
	v22 =	vperm.xlane v8, v0;
	v23 =	vpop (erf)  }
.Ltmp0:
0x66: {  	v15 =	vsel vm2, v15, v16;
	v18 =	vmax.f32 v18, v19;
	v19 =	vmul.f32 v23, v21;
	(pc) =	sbr.rel @p0 .LBB2_2-.Ltmp0, $4  }
0x67: {  	vm2 =	veq.s32 v17, v4;
	v21 =	vperm.xlane v18, v3;
	v16 =	vadd.f32 v22, v8  }
0x68: {  	v17 =	vperm.xlane v15, v1;
	v22 =	vsel vm2, $0x1, v5;
	v19 =	vnsel vm2, $0x0, v19  }
0x69: {  	v21 =	vmax.f32 v18, v21;
	v18 =	vperm.xlane v16, v1;
	v23 =	vsel vm1, v23, v19  }
0x6a: {  	s15 =	sadd.s32 $0x200, s15;
	v9 =	vadd.s32 v22, v9;
	v19 =	vperm.xlane v12, v0;
	vm3 =	veq.f32 v20, v21;
	[tilespmem:s11+$0x2000] =	vst v23  }
0x6b: {  	_ = 	snop  }
0x6c: {  	v19 =	vmax.f32 v12, v19  }
0x6d: {  	v20 =	vperm.xlane v19, v1;
	_ =	sdelay $0x1  }
0x6e: {  	v19 =	vmax.f32 v19, v20  }
0x6f: {  	v20 =	vperm.xlane v19, v2;
	_ =	sdelay $0x1  }
0x70: {  	v19 =	vmax.f32 v19, v20  }
0x71: {  	v20 =	vperm.xlane v19, v3;
	_ =	sdelay $0x1  }
0x72: {  	v19 =	vmax.f32 v19, v20  }
0x73: {  	vm4 =	veq.f32 v12, v19  }
0x74: {  	v42 =	vnsel vm4, $0x10, v4  }
0x75: {  	v21 =	vperm.xlane v42, v0  }
0x76: {  	vm5 =	vlt.s32 v15, v17;
	v16 =	vadd.f32 v18, v16  }
0x77: {  	v13 =	vsub.f32 v10, v13;
	v15 =	vsel vm5, v15, v17;
	vm4 =	vlt.s32 v42, v21  }
0x78: {  	v45 =	vperm.xlane v15, v2;
	v23 =	vperm.xlane v16, v2;
	v20 =	vsel vm4, v42, v21  }
0x79: {  	v13 =	vmul.f32 $1.442695020e+00, v13;
	v43 =	vperm.xlane v20, v1  }
0x7a: {  	v16 =	vadd.f32 v23, v16  }
0x7b: {  	vm10 =	vlt.s32 v15, v45;
	(erf) = vpow2.f32 v13;
	vm9 =	vlt.s32 v20, v43  }
0x7c: {  	v15 =	vsel vm10, v15, v45;
	v23 =	vperm.xlane v16, v3;
	v17 =	vsel vm9, v20, v43  }
0x7d: {  	v47 =	vperm.xlane v15, v3;
	v19 =	vsub.f32 v12, v19;
	v46 =	vperm.xlane v17, v2  }
0x7e: {  	v44 =	vnsel vm3, $0x10, v4;
	v16 =	vadd.f32 v23, v16  }
0x7f: {  	vm13 =	vlt.s32 v15, v47;
	v19 =	vmul.f32 $1.442695020e+00, v19;
	vm12 =	vlt.s32 v17, v46  }
0x80: {  	v15 =	vsel vm13, v15, v47;
	(erf) = vrcp.f32 v16;
	v17 =	vsel vm12, v17, v46  }
0x81: {  	(erf) = vpow2.f32 v19;
	vm4 =	veq.s32 v15, v4;
	v48 =	vperm.xlane v17, v3  }
0x82: {  	v22 =	vperm.xlane v44, v0;
	v50 =	vsel vm4, $0xFF61B1E6, v10  }
0x83: {  	v14 =	vadd.s32 $0x100, v14;
	v51 =	vperm.xlane v50, v0;
	vm14 =	vlt.s32 v17, v48  }
0x84: {  	vm0 =	vmmov vm0;
	vm11 =	vlt.s32 v44, v22;
	v13 =	vsel vm14, v17, v48  }
0x85: {  	v49 =	vsel vm11, v44, v22;
	v53 =	vmax.f32 v50, v51;
	vm3 =	veq.s32 v13, v4  }
0x86: {  	v52 =	vperm.xlane v49, v1;
	v58 =	vpop (erf);
	v55 =	vperm.xlane v53, v1;
	v54 =	vsel vm3, $0xFF61B1E6, v12  }
0x87: {  	v14 =	vnsel vm2, $0xFFFFFFFF, v14;
	v61 =	vperm.xlane v58, v0;
	v56 =	vperm.xlane v54, v0  }
0x88: {  	v7 =	vsel vm1, v7, v14;
	vm15 =	vlt.s32 v49, v52;
	v16 =	vmax.f32 v53, v55  }
0x89: {  	v62 =	vadd.f32 v61, v58;
	v24 =	vpop (erf);
	v59 =	vperm.xlane v16, v2;
	v57 =	vmax.f32 v54, v56  }
0x8a: {  	v15 =	vperm.xlane v11, v15;
	v28 =	vsel vm4, $0x1, v5;
	v30 =	vpop (erf);
	v60 =	vperm.xlane v57, v1  }
0x8b: {  	v29 =	vperm.xlane v62, v1;
	v31 =	vperm.xlane v30, v0;
	v16 =	vmax.f32 v16, v59  }
0x8c: {  	v37 =	vadd.s32 v28, v11;
	v21 =	vperm.xlane v16, v3;
	v19 =	vmax.f32 v57, v60  }
0x8d: {  	v10 =	vadd.f32 v31, v30;
	v17 =	vsel vm15, v49, v52;
	v63 =	vperm.xlane v19, v2  }
0x8e: {  	vm14 =	vmmov vm4;
	v18 =	vperm.xlane v17, v2;
	v16 =	vmax.f32 v16, v21  }
0x8f: {  	v21 =	vadd.f32 v29, v62;
	v38 =	vperm.xlane v10, v1;
	v19 =	vmax.f32 v19, v63  }
0x90: {  	v11 =	vperm.xlane v37, v13;
	vm7 =	veq.f32 v50, v16;
	v32 =	vperm.xlane v19, v3  }
0x91: {  	vm1 =	vmmov vm14;
	vm6 =	vlt.s32 v17, v18;
	v34 =	vnsel vm7, $0x10, v4  }
0x92: {  	v36 =	vperm.xlane v21, v2;
	v10 =	vadd.f32 v38, v10;
	v16 =	vmax.f32 v19, v32  }
0x93: {  	v17 =	vsel vm6, v17, v18;
	v35 =	vperm.xlane v34, v0;
	vm8 =	veq.f32 v54, v16  }
0x94: {  	v33 =	vperm.xlane v17, v3;
	v12 =	vadd.f32 v36, v21;
	v39 =	vnsel vm8, $0x10, v4  }
0x95: {  	v44 =	vperm.xlane v10, v2;
	vm9 =	vlt.s32 v34, v35;
	v40 =	vperm.xlane v39, v0  }
0x96: {  	vm10 =	vlt.s32 v17, v33;
	v42 =	vperm.xlane v12, v3;
	v19 =	vsel vm9, v34, v35  }
0x97: {  	v10 =	vadd.f32 v44, v10;
	v41 =	vperm.xlane v19, v1;
	vm11 =	vlt.s32 v39, v40  }
0x98: {  	v14 =	vsel vm10, v17, v33;
	v12 =	vadd.f32 v42, v12;
	v43 =	vsel vm11, v39, v40  }
0x99: {  	v45 =	vand.u32 $0xF, v14;
	vm12 =	vlt.s32 v19, v41;
	v21 =	vperm.xlane v43, v1  }
0x9a: {  	v47 =	vperm.xlane v10, v3;
	v8 =	vperm.xlane v8, v45;
	v16 =	vsel vm12, v19, v41  }
0x9b: {  	v18 =	vperm.xlane v9, v45;
	v46 =	vperm.xlane v16, v2;
	vm13 =	vlt.s32 v43, v21  }
0x9c: {  	(erf) = vrcp.f32 v12;
	v10 =	vadd.f32 v47, v10;
	v17 =	vsel vm13, v43, v21  }
0x9d: {  	v8 =	vmul.f32 v24, v8;
	vm15 =	vlt.s32 v16, v46;
	v48 =	vperm.xlane v17, v2  }
0x9e: {  	v52 =	vadd.s32 $0x100, v18;
	(erf) = vrcp.f32 v10;
	v12 =	vsel vm15, v16, v46  }
0x9f: {  	vm8 =	veq.s32 v14, v4;
	v16 =	vperm.xlane v12, v3;
	vm9 =	vlt.s32 v17, v48  }
0xa0: {  	v8 =	vnsel vm8, $0x0, v8;
	v49 =	vsel vm8, $0x1, v5;
	v51 =	vsel vm9, v17, v48  }
0xa1: {  	v14 =	vnsel vm8, $0xFFFFFFFF, v52;
	vm10 =	vlt.s32 v12, v16;
	v53 =	vperm.xlane v51, v3  }
0xa2: {  	v8 =	vsel vm0, v24, v8;
	v50 =	vadd.s32 v49, v9;
	v12 =	vsel vm10, v12, v16  }
0xa3: {  	v6 =	vsel vm0, v6, v14;
	v54 =	vand.u32 $0xF, v12;
	vm11 =	vlt.s32 v51, v53  }
0xa4: {  	vm13 =	vmmov vm3;
	v55 =	vperm.xlane v58, v54;
	v10 =	vsel vm11, v51, v53  }
0xa5: {  	v56 =	vpop (erf);
	vm12 =	veq.s32 v12, v4;
	v13 =	vperm.xlane v50, v54;
	v57 =	vand.u32 $0xF, v10  }
0xa6: {  	v58 =	vsel vm12, $0x1, v5;
	v14 =	vmul.f32 v56, v55;
	v59 =	vperm.xlane v30, v57  }
0xa7: {  	[tilespmem:s11+$0x4000] =	vst v7;
	v60 =	vpop (erf);
	vm15 =	vmmov vm13;
	v9 =	vadd.s32 v58, v50;
	v13 =	vadd.s32 $0x100, v13  }
0xa8: {  	[tilespmem:s12+$0x2000] =	vst v8;
	v7 =	vnsel vm12, $0x0, v14;
	v9 =	vperm.xlane v9, v57;
	v62 =	vmul.f32 v60, v59  }
0xa9: {  	[tilespmem:s12+$0x4000] =	vst v6;
	v61 =	vnsel vm12, $0xFFFFFFFF, v13;
	v6 =	vsel vm1, v56, v7;
	vm14 =	veq.s32 v10, v4  }
0xaa: {  	v7 =	vsel vm1, v15, v61;
	[tilespmem:s13+$0x2000] =	vst v6;
	v63 =	vadd.s32 $0x100, v9;
	v6 =	vnsel vm14, $0x0, v62  }
0xab: {  	[tilespmem:s13+$0x4000] =	vst v7;
	v7 =	vnsel vm14, $0xFFFFFFFF, v63;
	v6 =	vsel vm15, v60, v6  }
0xac: {  	[tilespmem:s14+$0x2000] =	vst v6;
	v6 =	vsel vm15, v11, v7  }
0xad: {  	[tilespmem:s14+$0x4000] =	vst v6  }
0xae: {  	[hbm4b:s4+s2] =	stream.linear.scatter [tilespmem:s8], [sflag:$0x1], $0x2000, $0x38;
	[tilespmem:$0x6000] =	vst v63  }
0xaf: {  	s10 =	sadd.s32 $0x1, s10;
	_ =	swait.ge [sflag:s7], $0x2000  }
0xb0: {  	p0 =	sne.s32 s10, s6;
	[sflag:s7] =	ssyncset.done $0x0  }
.Ltmp1:
0xb1: {  	[sflag:s7] =	ssyncadd.s32 $0xFFFFE000;
	(pc) =	sbr.rel @p0 .LBB2_1-.Ltmp1, $4  }
0xb2: {  	[hbm4b:s5+s2] =	stream.linear.scatter [tilespmem:s9], [sflag:$0x1], $0x2000, $0x38;
	[tilespmem:$0x6000] =	vst v63  }
0xb3: {  	_ =	swait.ge [sflag:s7], $0x2000  }
0xb4: {  	[sflag:s7] =	ssyncset.done $0x0  }
0xb5: {  	[sflag:s7] =	ssyncadd.s32 $0xFFFFE000  }
0xb6: {  	_ =	sfence.sel $0x180000  }
0xb7: {  	[bflag:$0x0] =	sbarrier.arrive $0xFFFF  }
0xb8: {  	p0 =	sne.s32 s1, $0x0;
	_ =	strace $0x90000047  }
0xb9: {  	s0 =	sadd.s32 @!p0 $0x100000, s0;
	[bflag:$0x2] =	sbarrier.arrive $0xFFFF  }
0xba: {  	[sflag:s0] =	ssyncadd.tile.s32 @!p0 $0x1;
	_ =	shalt  }
.Lfunc_end2:
_tile_overlayer_lowered:
.L_overlay_start_2:
0xbb: {  	(tag) =	ssettag $0x2  }
0xbc: {  	s0 =	rddreg [dreg:$0x0];
	s2 =	stileid.u32  }
0xbd: {  	s1 =	rddreg [dreg:$0x1];
	p0 =	sne.s32 s2, $0x0  }
0xbe: {  	s3 =	rddreg [dreg:$0x2];
	[bflag:$0x3] =	sbarrier.arrive $0xFFFF;
	s2 =	simm.s32 @!p0 $0x1C01  }
0xbf: {  	[timem:s3], [sflag:s2] =	dma.local @!p0 [hbm:s0], s1  }
0xc0: {  	s0 =	simm.s32 @!p0 $0x1  }
0xc1: {  	_ =	swait.ge @!p0 [sflag:s0], s1  }
0xc2: {  	s1 =	ssub.s32 @!p0 $0x0, s1;
	[sflag:s0] =	ssyncset.done @!p0 $0x0  }
0xc3: {  	[sflag:s0] =	ssyncadd.s32 @!p0 s1  }
0xc4: {  	[bflag:$0x3] =	sbarrier.arrive $0xFFFF  }
0xc5: {  	_ =	shalt  }

</sc_bundles>
